<compile_context>
chip_gen: v7x
topology: tpu7x:2x2x1
jax: 0.10.2.dev20260603
libtpu: 0.0.44.dev20260713+nightly
codegen_flags: <defaults>
</compile_context>

<pallas_src>
import functools

import jax
import jax.numpy as jnp
from jax import lax
from jax.experimental import pallas as pl
from jax.experimental.pallas import tpu as pltpu
from jax.experimental.pallas import tpu_sc as plsc

N_GENES_K = 20000
N_TFS_K = 1500
TF_PAD = 1536
BG = 4
BW = 64
CHUNK = 128
SUP = 8
N_SUP = 25
ROWS_PER_TILE = SUP * N_SUP
CONN_PAD = 8 * ROWS_PER_TILE * CHUNK
RED_ROWS = TF_PAD // 8


def _sc_body(xt_hbm, gene_hbm, tf_hbm, w_hbm, out_hbm, part_hbm,
             gene2, tf2, w2, idx2, gbuf, acc, gsem):
    c = lax.axis_index("c")
    s = lax.axis_index("s")
    g = c * 2 + s // 8
    tig = s % 8

    def zero_body(i, _):
        r = i // (BW // 16)
        sl = pl.ds((i % (BW // 16)) * 16, 16)
        acc[r, sl] = jnp.zeros((16,), jnp.float32)
        return 0
    lax.fori_loop(0, TF_PAD * BW // 16, zero_body, 0)

    gene_base = g * N_GENES_K

    def sup_body(si, _):
        row0 = tig * ROWS_PER_TILE + si * SUP
        pltpu.sync_copy(gene_hbm.at[pl.ds(row0, SUP)], gene2)
        pltpu.sync_copy(tf_hbm.at[pl.ds(row0, SUP)], tf2)
        pltpu.sync_copy(w_hbm.at[pl.ds(row0, SUP)], w2)

        def idx_body(r, _):
            for k in range(CHUNK // 16):
                idx2[r, pl.ds(k * 16, 16)] = (
                    gene2[r, pl.ds(k * 16, 16)] + gene_base)
            return 0
        lax.fori_loop(0, SUP, idx_body, 0)

        def chunk_body(r, _):
            pltpu.async_copy(xt_hbm.at[idx2.at[r]], gbuf, gsem).wait()

            def conn_body(cc, _):
                tf_v = tf2[r, pl.ds(cc * 16, 16)]
                w_v = w2[r, pl.ds(cc * 16, 16)]
                for l in range(16):
                    t = tf_v[l]
                    w = w_v[l]
                    j = cc * 16 + l
                    for k in range(BW // 16):
                        sl = pl.ds(k * 16, 16)
                        acc[t, sl] = acc[t, sl] + gbuf[j, sl] * w
                return 0
            lax.fori_loop(0, CHUNK // 16, conn_body, 0)
            return 0
        lax.fori_loop(0, SUP, chunk_body, 0)
        return 0
    lax.fori_loop(0, N_SUP, sup_body, 0)

    wid = c * 16 + s
    pltpu.sync_copy(acc, part_hbm.at[wid])
    plsc.subcore_barrier()

    r0 = tig * RED_ROWS
    wid0 = c * 16 + (g % 2) * 8
    pltpu.sync_copy(part_hbm.at[wid0, pl.ds(r0, RED_ROWS)],
                    acc.at[pl.ds(0, RED_ROWS)])

    def red_body(p, _):
        pltpu.sync_copy(part_hbm.at[wid0 + p, pl.ds(r0, RED_ROWS)],
                        acc.at[pl.ds(RED_ROWS, RED_ROWS)])

        def add16(i, _):
            dst_r = i // (BW // 16)
            kk = i % (BW // 16)
            sl = pl.ds(kk * 16, 16)
            acc[dst_r, sl] = acc[dst_r, sl] + acc[RED_ROWS + dst_r, sl]
            return 0
        lax.fori_loop(0, RED_ROWS * (BW // 16), add16, 0)
        return 0
    lax.fori_loop(1, 8, red_body, 0)

    pltpu.sync_copy(acc.at[pl.ds(0, RED_ROWS)],
                    out_hbm.at[g, pl.ds(r0, RED_ROWS)])


@jax.jit
def kernel(x, gene_indices, tf_indices, weights):
    b, n_genes = x.shape
    n_conn = gene_indices.shape[0]

    xt = x.reshape(BG, BW, n_genes).transpose(0, 2, 1).reshape(
        BG * n_genes, BW)

    pad = CONN_PAD - n_conn
    gene_h = jnp.pad(gene_indices, (0, pad)).reshape(-1, CHUNK)
    tf_h = jnp.pad(tf_indices, (0, pad)).reshape(-1, CHUNK)
    w_h = jnp.pad(weights, (0, pad)).reshape(-1, CHUNK)

    mesh = plsc.VectorSubcoreMesh(core_axis_name="c", subcore_axis_name="s")
    out, _ = pl.kernel(
        _sc_body,
        out_type=(
            jax.ShapeDtypeStruct((BG, TF_PAD, BW), jnp.float32),
            jax.ShapeDtypeStruct((32, TF_PAD, BW), jnp.float32),
        ),
        mesh=mesh,
        compiler_params=pltpu.CompilerParams(use_tc_tiling_on_sc=False),
        scratch_types=[
            pltpu.VMEM((SUP, CHUNK), jnp.int32),
            pltpu.VMEM((SUP, CHUNK), jnp.int32),
            pltpu.VMEM((SUP, CHUNK), jnp.float32),
            pltpu.VMEM((SUP, CHUNK), jnp.int32),
            pltpu.VMEM((CHUNK, BW), jnp.float32),
            pltpu.VMEM((TF_PAD, BW), jnp.float32),
            pltpu.SemaphoreType.DMA,
        ],
    )(xt, gene_h, tf_h, w_h)

    out = out[:, :N_TFS_K, :]
    return out.transpose(0, 2, 1).reshape(b, N_TFS_K)

# --- scband reference (transcript-rebuilt; emitter-appended) ---
"""Pipeline reference for scband-sparse-grnlayer-24644522344785 (READ-ONLY COPY).

The authoritative reference and input builder live on the scoring server;
editing this copy changes nothing except your own understanding.
"""

import jax, jax.numpy as jnp
import numpy as np

N_GENES = 20000
N_TFS = 1500
N_CONN = 200000
BATCH = 256

def setup_inputs(seed: int = 0) -> dict:
    key = jax.random.key(seed)
    k1, k2, k3, k4 = jax.random.split(key, 4)
    x = jax.random.normal(k1, (BATCH, N_GENES), dtype=jnp.float32)
    gene_indices = jax.random.randint(k2, (N_CONN,), 0, N_GENES, dtype=jnp.int32)
    tf_indices = jax.random.randint(k3, (N_CONN,), 0, N_TFS, dtype=jnp.int32)
    weights = jax.random.normal(k4, (N_CONN,), dtype=jnp.float32) * 0.1
    return {"x": x, "gene_indices": gene_indices, "tf_indices": tf_indices, "weights": weights}

def reference(x, gene_indices, tf_indices, weights):
    # gather: per-connection source gene expression, per batch row
    gene_vals = jnp.take(x, gene_indices, axis=1)            # (B, n_conn)
    weighted_vals = gene_vals * weights                       # (B, n_conn)
    # scatter-add along axis 1 into TF buckets
    tf_output = jnp.zeros((x.shape[0], N_TFS), dtype=x.dtype)
    tf_output = tf_output.at[:, tf_indices].add(weighted_vals)
    return tf_output

if __name__ == "__main__":
    import jax
    _d = setup_inputs()
    print(jax.jit(kernel)(*tuple(_d.values())))

</pallas_src>

<mosaic_0001>
#map = affine_map<(d0, d1) -> (0, 0)>
#map1 = affine_map<(d0, d1) -> (0, 0, 0)>
module attributes {stable_mosaic.version = 14 : i64} {
  func.func @_sc_body(%arg0: i32, %arg1: i32, %arg2: memref<80000x64xf32, #tpu.memory_space<hbm>>, %arg3: memref<1600x128xi32, #tpu.memory_space<hbm>>, %arg4: memref<1600x128xi32, #tpu.memory_space<hbm>>, %arg5: memref<1600x128xf32, #tpu.memory_space<hbm>>, %arg6: memref<4x1536x64xf32, #tpu.memory_space<hbm>>, %arg7: memref<32x1536x64xf32, #tpu.memory_space<hbm>>, %arg8: memref<8x128xi32, #tpu.memory_space<vmem>>, %arg9: memref<8x128xi32, #tpu.memory_space<vmem>>, %arg10: memref<8x128xf32, #tpu.memory_space<vmem>>, %arg11: memref<8x128xi32, #tpu.memory_space<vmem>>, %arg12: memref<128x64xf32, #tpu.memory_space<vmem>>, %arg13: memref<1536x64xf32, #tpu.memory_space<vmem>>, %arg14: memref<!tpu.dma_semaphore, #tpu.memory_space<semaphore_mem>>) attributes {dimension_semantics = [#tpu.dimension_semantics<core_parallel>, #tpu.dimension_semantics<subcore_parallel>], iteration_bounds = array<i64: 2, 16>, scalar_prefetch = 0 : i64, scratch_operands = 7 : i64, tpu.core_type = #tpu.core_type<sc_vector_subcore>, window_params = [{transform_indices = #map}, {transform_indices = #map}, {transform_indices = #map}, {transform_indices = #map}, {transform_indices = #map1}, {transform_indices = #map1}]} {
    %mul3A = arith.constant 2 : i32
    %mul3A_0 = arith.muli %arg0, %mul3A : i32
    %jit3A = arith.constant 8 : i32
    %div3A = arith.divsi %arg1, %jit3A : i32
    %sign3A = arith.constant 0 : i32
    %sign3A_1 = arith.cmpi sgt, %arg1, %sign3A : i32
    %sign3A_2 = arith.extui %sign3A_1 : i1 to i32
    %sign3A_3 = arith.constant 0 : i32
    %sign3A_4 = arith.cmpi slt, %arg1, %sign3A_3 : i32
    %sign3A_5 = arith.extui %sign3A_4 : i1 to i32
    %sign3A_6 = arith.subi %sign3A_2, %sign3A_5 : i32
    %sign3A_7 = arith.constant 0 : i32
    %sign3A_8 = arith.cmpi sgt, %jit3A, %sign3A_7 : i32
    %sign3A_9 = arith.extui %sign3A_8 : i1 to i32
    %sign3A_10 = arith.constant 0 : i32
    %sign3A_11 = arith.cmpi slt, %jit3A, %sign3A_10 : i32
    %sign3A_12 = arith.extui %sign3A_11 : i1 to i32
    %sign3A_13 = arith.subi %sign3A_9, %sign3A_12 : i32
    %ne3A = arith.cmpi ne, %sign3A_6, %sign3A_13 : i32
    %rem3A = arith.remsi %arg1, %jit3A : i32
    %ne3A_14 = arith.constant 0 : i32
    %ne3A_15 = arith.cmpi ne, %rem3A, %ne3A_14 : i32
    %and3A = arith.andi %ne3A, %ne3A_15 : i1
    %sub3A = arith.constant 1 : i32
    %sub3A_16 = arith.subi %div3A, %sub3A : i32
    %select_n3A = arith.select %and3A, %sub3A_16, %div3A : i32
    %add3A = arith.addi %mul3A_0, %select_n3A : i32
    %jit3A_17 = arith.constant 8 : i32
    %eq3A = arith.constant 0 : i32
    %eq3A_18 = arith.cmpi eq, %jit3A_17, %eq3A : i32
    %jit3A_19 = arith.constant 1 : i32
    %select_n3A_20 = arith.select %eq3A_18, %jit3A_19, %jit3A_17 : i32
    %rem3A_21 = arith.remsi %arg1, %select_n3A_20 : i32
    %ne3A_22 = arith.constant 0 : i32
    %ne3A_23 = arith.cmpi ne, %rem3A_21, %ne3A_22 : i32
    %lt3A = arith.constant 0 : i32
    %lt3A_24 = arith.cmpi slt, %rem3A_21, %lt3A : i32
    %lt3A_25 = arith.constant 0 : i32
    %lt3A_26 = arith.cmpi slt, %select_n3A_20, %lt3A_25 : i32
    %ne3A_27 = arith.xori %lt3A_24, %lt3A_26 : i1
    %and3A_28 = arith.andi %ne3A_27, %ne3A_23 : i1
    %add3A_29 = arith.addi %rem3A_21, %select_n3A_20 : i32
    %select_n3A_30 = arith.select %and3A_28, %add3A_29, %rem3A_21 : i32
    %scan3A = arith.constant 0 : i32
    %scan3A_31 = arith.constant 0 : i32
    %scan3A_32 = arith.constant 6144 : i32
    %scan3A_33 = arith.addi %scan3A_31, %scan3A_32 : i32
    %scan3A_34 = arith.constant 1 : i32
    %scan3A_35 = scf.for %scan3A_79 = %scan3A_31 to %scan3A_33 step %scan3A_34 iter_args(%scan3A_80 = %scan3A) -> (i32)  : i32 {
      %jit3A_81 = arith.constant 4 : i32
      %div3A_82 = arith.divsi %scan3A_79, %jit3A_81 : i32
      %sign3A_83 = arith.constant 0 : i32
      %sign3A_84 = arith.cmpi sgt, %scan3A_79, %sign3A_83 : i32
      %sign3A_85 = arith.extui %sign3A_84 : i1 to i32
      %sign3A_86 = arith.constant 0 : i32
      %sign3A_87 = arith.cmpi slt, %scan3A_79, %sign3A_86 : i32
      %sign3A_88 = arith.extui %sign3A_87 : i1 to i32
      %sign3A_89 = arith.subi %sign3A_85, %sign3A_88 : i32
      %sign3A_90 = arith.constant 0 : i32
      %sign3A_91 = arith.cmpi sgt, %jit3A_81, %sign3A_90 : i32
      %sign3A_92 = arith.extui %sign3A_91 : i1 to i32
      %sign3A_93 = arith.constant 0 : i32
      %sign3A_94 = arith.cmpi slt, %jit3A_81, %sign3A_93 : i32
      %sign3A_95 = arith.extui %sign3A_94 : i1 to i32
      %sign3A_96 = arith.subi %sign3A_92, %sign3A_95 : i32
      %ne3A_97 = arith.cmpi ne, %sign3A_89, %sign3A_96 : i32
      %rem3A_98 = arith.remsi %scan3A_79, %jit3A_81 : i32
      %ne3A_99 = arith.constant 0 : i32
      %ne3A_100 = arith.cmpi ne, %rem3A_98, %ne3A_99 : i32
      %and3A_101 = arith.andi %ne3A_97, %ne3A_100 : i1
      %sub3A_102 = arith.constant 1 : i32
      %sub3A_103 = arith.subi %div3A_82, %sub3A_102 : i32
      %select_n3A_104 = arith.select %and3A_101, %sub3A_103, %div3A_82 : i32
      %jit3A_105 = arith.constant 4 : i32
      %eq3A_106 = arith.constant 0 : i32
      %eq3A_107 = arith.cmpi eq, %jit3A_105, %eq3A_106 : i32
      %jit3A_108 = arith.constant 1 : i32
      %select_n3A_109 = arith.select %eq3A_107, %jit3A_108, %jit3A_105 : i32
      %rem3A_110 = arith.remsi %scan3A_79, %select_n3A_109 : i32
      %ne3A_111 = arith.constant 0 : i32
      %ne3A_112 = arith.cmpi ne, %rem3A_110, %ne3A_111 : i32
      %lt3A_113 = arith.constant 0 : i32
      %lt3A_114 = arith.cmpi slt, %rem3A_110, %lt3A_113 : i32
      %lt3A_115 = arith.constant 0 : i32
      %lt3A_116 = arith.cmpi slt, %select_n3A_109, %lt3A_115 : i32
      %ne3A_117 = arith.xori %lt3A_114, %lt3A_116 : i1
      %and3A_118 = arith.andi %ne3A_117, %ne3A_112 : i1
      %add3A_119 = arith.addi %rem3A_110, %select_n3A_109 : i32
      %select_n3A_120 = arith.select %and3A_118, %add3A_119, %rem3A_110 : i32
      %mul3A_121 = arith.constant 16 : i32
      %mul3A_122 = arith.muli %select_n3A_120, %mul3A_121 : i32
      %broadcast_in_dim3A = arith.constant 0.000000e+00 : f32
      %broadcast_in_dim3A_123 = vector.broadcast %broadcast_in_dim3A : f32 to vector<16xf32>
      %swap3A = arith.index_cast %select_n3A_104 : i32 to index
      %swap3A_124 = arith.index_cast %mul3A_122 : i32 to index
      %swap3A_125 = tpu.vector_load %arg13[%swap3A, %swap3A_124] {strides = array<i32>} : memref<1536x64xf32, #tpu.memory_space<vmem>>, vector<1x16xf32>,
      %swap3A_126 = vector.shape_cast %swap3A_125 : vector<1x16xf32> to vector<16xf32>
      %swap3A_127 = vector.shape_cast %broadcast_in_dim3A_123 : vector<16xf32> to vector<1x16xf32>
      tpu.vector_store %arg13[%swap3A, %swap3A_124], %swap3A_127 {strides = array<i32>} : memref<1536x64xf32, #tpu.memory_space<vmem>>, vector<1x16xf32>,
      %scan3A_128 = arith.constant 0 : i32
      scf.yield %scan3A_128 : i32
    }
    %scan3A_36 = arith.constant 6144 : i32
    %mul3A_37 = arith.constant 20000 : i32
    %mul3A_38 = arith.muli %add3A, %mul3A_37 : i32
    %scan3A_39 = arith.constant 0 : i32
    %scan3A_40 = arith.constant 0 : i32
    %scan3A_41 = arith.constant 25 : i32
    %scan3A_42 = arith.addi %scan3A_40, %scan3A_41 : i32
    %scan3A_43 = arith.constant 1 : i32
    %scan3A_44 = scf.for %scan3A_79 = %scan3A_40 to %scan3A_42 step %scan3A_43 iter_args(%scan3A_80 = %scan3A_39) -> (i32)  : i32 {
      %mul3A_81 = arith.constant 200 : i32
      %mul3A_82 = arith.muli %select_n3A_30, %mul3A_81 : i32
      %mul3A_83 = arith.constant 8 : i32
      %mul3A_84 = arith.muli %scan3A_79, %mul3A_83 : i32
      %add3A_85 = arith.addi %mul3A_82, %mul3A_84 : i32
      "tpu.region"() ({
        %run_scoped3A = tpu.sem_alloc : memref<!tpu.dma_semaphore, #tpu.memory_space<semaphore_mem>>
        %dma_start3A = arith.constant 0 : i32
        %dma_start3A_101 = tpu.memref_slice %arg3[%add3A_85, %dma_start3A] : memref<1600x128xi32, #tpu.memory_space<hbm>> -> memref<8x128xi32, #tpu.memory_space<hbm>>
        %dma_start3A_102 = arith.constant 0 : i32
        %dma_start3A_103 = tpu.memref_slice %arg3[%add3A_85, %dma_start3A_102] : memref<1600x128xi32, #tpu.memory_space<hbm>> -> memref<8x128xi32, #tpu.memory_space<hbm>>
        tpu.enqueue_dma source(%dma_start3A_103 : memref<8x128xi32, #tpu.memory_space<hbm>>) target(%arg8 : memref<8x128xi32, #tpu.memory_space<vmem>>) target_semaphore(%run_scoped3A : memref<!tpu.dma_semaphore, #tpu.memory_space<semaphore_mem>>)
        %dma_wait3A = arith.constant 0 : i32
        %dma_wait3A_104 = tpu.memref_slice %arg3[%add3A_85, %dma_wait3A] : memref<1600x128xi32, #tpu.memory_space<hbm>> -> memref<8x128xi32, #tpu.memory_space<hbm>>
        %dma_wait3A_105 = arith.constant 0 : i32
        %dma_wait3A_106 = tpu.memref_slice %arg3[%add3A_85, %dma_wait3A_105] : memref<1600x128xi32, #tpu.memory_space<hbm>> -> memref<8x128xi32, #tpu.memory_space<hbm>>
        tpu.wait_dma2 semaphore(%run_scoped3A : memref<!tpu.dma_semaphore, #tpu.memory_space<semaphore_mem>>) src(%dma_wait3A_106 : memref<8x128xi32, #tpu.memory_space<hbm>>) dst(%arg8 : memref<8x128xi32, #tpu.memory_space<vmem>>)
        tpu.yield
      }) : () -> ()
      "tpu.region"() ({
        %run_scoped3A = tpu.sem_alloc : memref<!tpu.dma_semaphore, #tpu.memory_space<semaphore_mem>>
        %dma_start3A = arith.constant 0 : i32
        %dma_start3A_101 = tpu.memref_slice %arg4[%add3A_85, %dma_start3A] : memref<1600x128xi32, #tpu.memory_space<hbm>> -> memref<8x128xi32, #tpu.memory_space<hbm>>
        %dma_start3A_102 = arith.constant 0 : i32
        %dma_start3A_103 = tpu.memref_slice %arg4[%add3A_85, %dma_start3A_102] : memref<1600x128xi32, #tpu.memory_space<hbm>> -> memref<8x128xi32, #tpu.memory_space<hbm>>
        tpu.enqueue_dma source(%dma_start3A_103 : memref<8x128xi32, #tpu.memory_space<hbm>>) target(%arg9 : memref<8x128xi32, #tpu.memory_space<vmem>>) target_semaphore(%run_scoped3A : memref<!tpu.dma_semaphore, #tpu.memory_space<semaphore_mem>>)
        %dma_wait3A = arith.constant 0 : i32
        %dma_wait3A_104 = tpu.memref_slice %arg4[%add3A_85, %dma_wait3A] : memref<1600x128xi32, #tpu.memory_space<hbm>> -> memref<8x128xi32, #tpu.memory_space<hbm>>
        %dma_wait3A_105 = arith.constant 0 : i32
        %dma_wait3A_106 = tpu.memref_slice %arg4[%add3A_85, %dma_wait3A_105] : memref<1600x128xi32, #tpu.memory_space<hbm>> -> memref<8x128xi32, #tpu.memory_space<hbm>>
        tpu.wait_dma2 semaphore(%run_scoped3A : memref<!tpu.dma_semaphore, #tpu.memory_space<semaphore_mem>>) src(%dma_wait3A_106 : memref<8x128xi32, #tpu.memory_space<hbm>>) dst(%arg9 : memref<8x128xi32, #tpu.memory_space<vmem>>)
        tpu.yield
      }) : () -> ()
      "tpu.region"() ({
        %run_scoped3A = tpu.sem_alloc : memref<!tpu.dma_semaphore, #tpu.memory_space<semaphore_mem>>
        %dma_start3A = arith.constant 0 : i32
        %dma_start3A_101 = tpu.memref_slice %arg5[%add3A_85, %dma_start3A] : memref<1600x128xf32, #tpu.memory_space<hbm>> -> memref<8x128xf32, #tpu.memory_space<hbm>>
        %dma_start3A_102 = arith.constant 0 : i32
        %dma_start3A_103 = tpu.memref_slice %arg5[%add3A_85, %dma_start3A_102] : memref<1600x128xf32, #tpu.memory_space<hbm>> -> memref<8x128xf32, #tpu.memory_space<hbm>>
        tpu.enqueue_dma source(%dma_start3A_103 : memref<8x128xf32, #tpu.memory_space<hbm>>) target(%arg10 : memref<8x128xf32, #tpu.memory_space<vmem>>) target_semaphore(%run_scoped3A : memref<!tpu.dma_semaphore, #tpu.memory_space<semaphore_mem>>)
        %dma_wait3A = arith.constant 0 : i32
        %dma_wait3A_104 = tpu.memref_slice %arg5[%add3A_85, %dma_wait3A] : memref<1600x128xf32, #tpu.memory_space<hbm>> -> memref<8x128xf32, #tpu.memory_space<hbm>>
        %dma_wait3A_105 = arith.constant 0 : i32
        %dma_wait3A_106 = tpu.memref_slice %arg5[%add3A_85, %dma_wait3A_105] : memref<1600x128xf32, #tpu.memory_space<hbm>> -> memref<8x128xf32, #tpu.memory_space<hbm>>
        tpu.wait_dma2 semaphore(%run_scoped3A : memref<!tpu.dma_semaphore, #tpu.memory_space<semaphore_mem>>) src(%dma_wait3A_106 : memref<8x128xf32, #tpu.memory_space<hbm>>) dst(%arg10 : memref<8x128xf32, #tpu.memory_space<vmem>>)
        tpu.yield
      }) : () -> ()
      %scan3A_86 = arith.constant 0 : i32
      %scan3A_87 = arith.constant 0 : i32
      %scan3A_88 = arith.constant 8 : i32
      %scan3A_89 = arith.addi %scan3A_87, %scan3A_88 : i32
      %scan3A_90 = arith.constant 1 : i32
      %scan3A_91 = scf.for %scan3A_101 = %scan3A_87 to %scan3A_89 step %scan3A_90 iter_args(%scan3A_102 = %scan3A_86) -> (i32)  : i32 {
        %get3A = arith.index_cast %scan3A_101 : i32 to index
        %get3A_103 = arith.constant 0 : index
        %get3A_104 = tpu.vector_load %arg8[%get3A, %get3A_103] {strides = array<i32>} : memref<8x128xi32, #tpu.memory_space<vmem>>, vector<1x16xi32>,
        %get3A_105 = vector.shape_cast %get3A_104 : vector<1x16xi32> to vector<16xi32>
        %add3A_106 = vector.broadcast %mul3A_38 : i32 to vector<16xi32>
        %add3A_107 = arith.addi %get3A_105, %add3A_106 : vector<16xi32>
        %swap3A = arith.index_cast %scan3A_101 : i32 to index
        %swap3A_108 = arith.constant 0 : index
        %swap3A_109 = tpu.vector_load %arg11[%swap3A, %swap3A_108] {strides = array<i32>} : memref<8x128xi32, #tpu.memory_space<vmem>>, vector<1x16xi32>,
        %swap3A_110 = vector.shape_cast %swap3A_109 : vector<1x16xi32> to vector<16xi32>
        %swap3A_111 = vector.shape_cast %add3A_107 : vector<16xi32> to vector<1x16xi32>
        tpu.vector_store %arg11[%swap3A, %swap3A_108], %swap3A_111 {strides = array<i32>} : memref<8x128xi32, #tpu.memory_space<vmem>>, vector<1x16xi32>,
        %get3A_112 = arith.index_cast %scan3A_101 : i32 to index
        %get3A_113 = arith.constant 16 : index
        %get3A_114 = tpu.vector_load %arg8[%get3A_112, %get3A_113] {strides = array<i32>} : memref<8x128xi32, #tpu.memory_space<vmem>>, vector<1x16xi32>,
        %get3A_115 = vector.shape_cast %get3A_114 : vector<1x16xi32> to vector<16xi32>
        %add3A_116 = vector.broadcast %mul3A_38 : i32 to vector<16xi32>
        %add3A_117 = arith.addi %get3A_115, %add3A_116 : vector<16xi32>
        %swap3A_118 = arith.index_cast %scan3A_101 : i32 to index
        %swap3A_119 = arith.constant 16 : index
        %swap3A_120 = tpu.vector_load %arg11[%swap3A_118, %swap3A_119] {strides = array<i32>} : memref<8x128xi32, #tpu.memory_space<vmem>>, vector<1x16xi32>,
        %swap3A_121 = vector.shape_cast %swap3A_120 : vector<1x16xi32> to vector<16xi32>
        %swap3A_122 = vector.shape_cast %add3A_117 : vector<16xi32> to vector<1x16xi32>
        tpu.vector_store %arg11[%swap3A_118, %swap3A_119], %swap3A_122 {strides = array<i32>} : memref<8x128xi32, #tpu.memory_space<vmem>>, vector<1x16xi32>,
        %get3A_123 = arith.index_cast %scan3A_101 : i32 to index
        %get3A_124 = arith.constant 32 : index
        %get3A_125 = tpu.vector_load %arg8[%get3A_123, %get3A_124] {strides = array<i32>} : memref<8x128xi32, #tpu.memory_space<vmem>>, vector<1x16xi32>,
        %get3A_126 = vector.shape_cast %get3A_125 : vector<1x16xi32> to vector<16xi32>
        %add3A_127 = vector.broadcast %mul3A_38 : i32 to vector<16xi32>
        %add3A_128 = arith.addi %get3A_126, %add3A_127 : vector<16xi32>
        %swap3A_129 = arith.index_cast %scan3A_101 : i32 to index
        %swap3A_130 = arith.constant 32 : index
        %swap3A_131 = tpu.vector_load %arg11[%swap3A_129, %swap3A_130] {strides = array<i32>} : memref<8x128xi32, #tpu.memory_space<vmem>>, vector<1x16xi32>,
        %swap3A_132 = vector.shape_cast %swap3A_131 : vector<1x16xi32> to vector<16xi32>
        %swap3A_133 = vector.shape_cast %add3A_128 : vector<16xi32> to vector<1x16xi32>
        tpu.vector_store %arg11[%swap3A_129, %swap3A_130], %swap3A_133 {strides = array<i32>} : memref<8x128xi32, #tpu.memory_space<vmem>>, vector<1x16xi32>,
        %get3A_134 = arith.index_cast %scan3A_101 : i32 to index
        %get3A_135 = arith.constant 48 : index
        %get3A_136 = tpu.vector_load %arg8[%get3A_134, %get3A_135] {strides = array<i32>} : memref<8x128xi32, #tpu.memory_space<vmem>>, vector<1x16xi32>,
        %get3A_137 = vector.shape_cast %get3A_136 : vector<1x16xi32> to vector<16xi32>
        %add3A_138 = vector.broadcast %mul3A_38 : i32 to vector<16xi32>
        %add3A_139 = arith.addi %get3A_137, %add3A_138 : vector<16xi32>
        %swap3A_140 = arith.index_cast %scan3A_101 : i32 to index
        %swap3A_141 = arith.constant 48 : index
        %swap3A_142 = tpu.vector_load %arg11[%swap3A_140, %swap3A_141] {strides = array<i32>} : memref<8x128xi32, #tpu.memory_space<vmem>>, vector<1x16xi32>,
        %swap3A_143 = vector.shape_cast %swap3A_142 : vector<1x16xi32> to vector<16xi32>
        %swap3A_144 = vector.shape_cast %add3A_139 : vector<16xi32> to vector<1x16xi32>
        tpu.vector_store %arg11[%swap3A_140, %swap3A_141], %swap3A_144 {strides = array<i32>} : memref<8x128xi32, #tpu.memory_space<vmem>>, vector<1x16xi32>,
        %get3A_145 = arith.index_cast %scan3A_101 : i32 to index
        %get3A_146 = arith.constant 64 : index
        %get3A_147 = tpu.vector_load %arg8[%get3A_145, %get3A_146] {strides = array<i32>} : memref<8x128xi32, #tpu.memory_space<vmem>>, vector<1x16xi32>,
        %get3A_148 = vector.shape_cast %get3A_147 : vector<1x16xi32> to vector<16xi32>
        %add3A_149 = vector.broadcast %mul3A_38 : i32 to vector<16xi32>
        %add3A_150 = arith.addi %get3A_148, %add3A_149 : vector<16xi32>
        %swap3A_151 = arith.index_cast %scan3A_101 : i32 to index
        %swap3A_152 = arith.constant 64 : index
        %swap3A_153 = tpu.vector_load %arg11[%swap3A_151, %swap3A_152] {strides = array<i32>} : memref<8x128xi32, #tpu.memory_space<vmem>>, vector<1x16xi32>,
        %swap3A_154 = vector.shape_cast %swap3A_153 : vector<1x16xi32> to vector<16xi32>
        %swap3A_155 = vector.shape_cast %add3A_150 : vector<16xi32> to vector<1x16xi32>
        tpu.vector_store %arg11[%swap3A_151, %swap3A_152], %swap3A_155 {strides = array<i32>} : memref<8x128xi32, #tpu.memory_space<vmem>>, vector<1x16xi32>,
        %get3A_156 = arith.index_cast %scan3A_101 : i32 to index
        %get3A_157 = arith.constant 80 : index
        %get3A_158 = tpu.vector_load %arg8[%get3A_156, %get3A_157] {strides = array<i32>} : memref<8x128xi32, #tpu.memory_space<vmem>>, vector<1x16xi32>,
        %get3A_159 = vector.shape_cast %get3A_158 : vector<1x16xi32> to vector<16xi32>
        %add3A_160 = vector.broadcast %mul3A_38 : i32 to vector<16xi32>
        %add3A_161 = arith.addi %get3A_159, %add3A_160 : vector<16xi32>
        %swap3A_162 = arith.index_cast %scan3A_101 : i32 to index
        %swap3A_163 = arith.constant 80 : index
        %swap3A_164 = tpu.vector_load %arg11[%swap3A_162, %swap3A_163] {strides = array<i32>} : memref<8x128xi32, #tpu.memory_space<vmem>>, vector<1x16xi32>,
        %swap3A_165 = vector.shape_cast %swap3A_164 : vector<1x16xi32> to vector<16xi32>
        %swap3A_166 = vector.shape_cast %add3A_161 : vector<16xi32> to vector<1x16xi32>
        tpu.vector_store %arg11[%swap3A_162, %swap3A_163], %swap3A_166 {strides = array<i32>} : memref<8x128xi32, #tpu.memory_space<vmem>>, vector<1x16xi32>,
        %get3A_167 = arith.index_cast %scan3A_101 : i32 to index
        %get3A_168 = arith.constant 96 : index
        %get3A_169 = tpu.vector_load %arg8[%get3A_167, %get3A_168] {strides = array<i32>} : memref<8x128xi32, #tpu.memory_space<vmem>>, vector<1x16xi32>,
        %get3A_170 = vector.shape_cast %get3A_169 : vector<1x16xi32> to vector<16xi32>
        %add3A_171 = vector.broadcast %mul3A_38 : i32 to vector<16xi32>
        %add3A_172 = arith.addi %get3A_170, %add3A_171 : vector<16xi32>
        %swap3A_173 = arith.index_cast %scan3A_101 : i32 to index
        %swap3A_174 = arith.constant 96 : index
        %swap3A_175 = tpu.vector_load %arg11[%swap3A_173, %swap3A_174] {strides = array<i32>} : memref<8x128xi32, #tpu.memory_space<vmem>>, vector<1x16xi32>,
        %swap3A_176 = vector.shape_cast %swap3A_175 : vector<1x16xi32> to vector<16xi32>
        %swap3A_177 = vector.shape_cast %add3A_172 : vector<16xi32> to vector<1x16xi32>
        tpu.vector_store %arg11[%swap3A_173, %swap3A_174], %swap3A_177 {strides = array<i32>} : memref<8x128xi32, #tpu.memory_space<vmem>>, vector<1x16xi32>,
        %get3A_178 = arith.index_cast %scan3A_101 : i32 to index
        %get3A_179 = arith.constant 112 : index
        %get3A_180 = tpu.vector_load %arg8[%get3A_178, %get3A_179] {strides = array<i32>} : memref<8x128xi32, #tpu.memory_space<vmem>>, vector<1x16xi32>,
        %get3A_181 = vector.shape_cast %get3A_180 : vector<1x16xi32> to vector<16xi32>
        %add3A_182 = vector.broadcast %mul3A_38 : i32 to vector<16xi32>
        %add3A_183 = arith.addi %get3A_181, %add3A_182 : vector<16xi32>
        %swap3A_184 = arith.index_cast %scan3A_101 : i32 to index
        %swap3A_185 = arith.constant 112 : index
        %swap3A_186 = tpu.vector_load %arg11[%swap3A_184, %swap3A_185] {strides = array<i32>} : memref<8x128xi32, #tpu.memory_space<vmem>>, vector<1x16xi32>,
        %swap3A_187 = vector.shape_cast %swap3A_186 : vector<1x16xi32> to vector<16xi32>
        %swap3A_188 = vector.shape_cast %add3A_183 : vector<16xi32> to vector<1x16xi32>
        tpu.vector_store %arg11[%swap3A_184, %swap3A_185], %swap3A_188 {strides = array<i32>} : memref<8x128xi32, #tpu.memory_space<vmem>>, vector<1x16xi32>,
        %scan3A_189 = arith.constant 0 : i32
        scf.yield %scan3A_189 : i32
      }
      %scan3A_92 = arith.constant 8 : i32
      %scan3A_93 = arith.constant 0 : i32
      %scan3A_94 = arith.constant 0 : i32
      %scan3A_95 = arith.constant 8 : i32
      %scan3A_96 = arith.addi %scan3A_94, %scan3A_95 : i32
      %scan3A_97 = arith.constant 1 : i32
      %scan3A_98 = scf.for %scan3A_101 = %scan3A_94 to %scan3A_96 step %scan3A_97 iter_args(%scan3A_102 = %scan3A_93) -> (i32)  : i32 {
        %dma_start3A = arith.constant 0 : i32
        %dma_start3A_103 = tpu.memref_slice %arg11[%scan3A_101, %dma_start3A] : memref<8x128xi32, #tpu.memory_space<vmem>> -> memref<1x128xi32, #tpu.memory_space<vmem>>
        %dma_start3A_104 = tpu.memref_squeeze %dma_start3A_103 : memref<1x128xi32, #tpu.memory_space<vmem>> -> memref<128xi32, #tpu.memory_space<vmem>>
        %dma_start3A_105 = arith.constant 0 : i32
        %dma_start3A_106 = arith.constant 0 : i32
        %dma_start3A_107 = tpu.memref_slice %arg2[%dma_start3A_105, %dma_start3A_106] : memref<80000x64xf32, #tpu.memory_space<hbm>> -> memref<80000x64xf32, #tpu.memory_space<hbm>>
        tpu.enqueue_indirect_dma source(%dma_start3A_107 : memref<80000x64xf32, #tpu.memory_space<hbm>>) target(%arg12 : memref<128x64xf32, #tpu.memory_space<vmem>>) offsets(%dma_start3A_104 : memref<128xi32, #tpu.memory_space<vmem>>) semaphore(%arg14 : memref<!tpu.dma_semaphore, #tpu.memory_space<semaphore_mem>>)
        %dma_wait3A = arith.constant 0 : i32
        %dma_wait3A_108 = tpu.memref_slice %arg11[%scan3A_101, %dma_wait3A] : memref<8x128xi32, #tpu.memory_space<vmem>> -> memref<1x128xi32, #tpu.memory_space<vmem>>
        %dma_wait3A_109 = tpu.memref_squeeze %dma_wait3A_108 : memref<1x128xi32, #tpu.memory_space<vmem>> -> memref<128xi32, #tpu.memory_space<vmem>>
        %dma_wait3A_110 = arith.constant 0 : i32
        %dma_wait3A_111 = arith.constant 0 : i32
        %dma_wait3A_112 = tpu.memref_slice %arg2[%dma_wait3A_110, %dma_wait3A_111] : memref<80000x64xf32, #tpu.memory_space<hbm>> -> memref<80000x64xf32, #tpu.memory_space<hbm>>
        tpu.wait_indirect_dma semaphore(%arg14 : memref<!tpu.dma_semaphore, #tpu.memory_space<semaphore_mem>>) src(%dma_wait3A_112 : memref<80000x64xf32, #tpu.memory_space<hbm>>) dst(%arg12 : memref<128x64xf32, #tpu.memory_space<vmem>>)
        %scan3A_113 = arith.constant 0 : i32
        %scan3A_114 = arith.constant 0 : i32
        %scan3A_115 = arith.constant 8 : i32
        %scan3A_116 = arith.addi %scan3A_114, %scan3A_115 : i32
        %scan3A_117 = arith.constant 1 : i32
        %scan3A_118 = scf.for %scan3A_121 = %scan3A_114 to %scan3A_116 step %scan3A_117 iter_args(%scan3A_122 = %scan3A_113) -> (i32)  : i32 {
          %mul3A_123 = arith.constant 16 : i32
          %mul3A_124 = arith.muli %scan3A_121, %mul3A_123 : i32
          %get3A = arith.index_cast %scan3A_101 : i32 to index
          %get3A_125 = arith.index_cast %mul3A_124 : i32 to index
          %get3A_126 = tpu.vector_load %arg9[%get3A, %get3A_125] {strides = array<i32>} : memref<8x128xi32, #tpu.memory_space<vmem>>, vector<1x16xi32>,
          %get3A_127 = vector.shape_cast %get3A_126 : vector<1x16xi32> to vector<16xi32>
          %mul3A_128 = arith.constant 16 : i32
          %mul3A_129 = arith.muli %scan3A_121, %mul3A_128 : i32
          %get3A_130 = arith.index_cast %scan3A_101 : i32 to index
          %get3A_131 = arith.index_cast %mul3A_129 : i32 to index
          %get3A_132 = tpu.vector_load %arg10[%get3A_130, %get3A_131] {strides = array<i32>} : memref<8x128xf32, #tpu.memory_space<vmem>>, vector<1x16xf32>,
          %get3A_133 = vector.shape_cast %get3A_132 : vector<1x16xf32> to vector<16xf32>
          %slice3A = vector.extract_strided_slice %get3A_127 {offsets = [0], sizes = [1], strides = [1]} : vector<16xi32> to vector<1xi32>
          %squeeze3A = vector.extract %slice3A[0] : i32 from vector<1xi32>
          %slice3A_134 = vector.extract_strided_slice %get3A_133 {offsets = [0], sizes = [1], strides = [1]} : vector<16xf32> to vector<1xf32>
          %squeeze3A_135 = vector.extract %slice3A_134[0] : f32 from vector<1xf32>
          %mul3A_136 = arith.constant 16 : i32
          %mul3A_137 = arith.muli %scan3A_121, %mul3A_136 : i32
          %add3A_138 = arith.constant 0 : i32
          %add3A_139 = arith.addi %mul3A_137, %add3A_138 : i32
          %get3A_140 = arith.index_cast %squeeze3A : i32 to index
          %get3A_141 = arith.constant 0 : index
          %get3A_142 = tpu.vector_load %arg13[%get3A_140, %get3A_141] {strides = array<i32>} : memref<1536x64xf32, #tpu.memory_space<vmem>>, vector<1x16xf32>,
          %get3A_143 = vector.shape_cast %get3A_142 : vector<1x16xf32> to vector<16xf32>
          %get3A_144 = arith.index_cast %add3A_139 : i32 to index
          %get3A_145 = arith.constant 0 : index
          %get3A_146 = tpu.vector_load %arg12[%get3A_144, %get3A_145] {strides = array<i32>} : memref<128x64xf32, #tpu.memory_space<vmem>>, vector<1x16xf32>,
          %get3A_147 = vector.shape_cast %get3A_146 : vector<1x16xf32> to vector<16xf32>
          %mul3A_148 = vector.broadcast %squeeze3A_135 : f32 to vector<16xf32>
          %mul3A_149 = arith.mulf %get3A_147, %mul3A_148 : vector<16xf32>
          %add3A_150 = arith.addf %get3A_143, %mul3A_149 : vector<16xf32>
          %swap3A = arith.index_cast %squeeze3A : i32 to index
          %swap3A_151 = arith.constant 0 : index
          %swap3A_152 = tpu.vector_load %arg13[%swap3A, %swap3A_151] {strides = array<i32>} : memref<1536x64xf32, #tpu.memory_space<vmem>>, vector<1x16xf32>,
          %swap3A_153 = vector.shape_cast %swap3A_152 : vector<1x16xf32> to vector<16xf32>
          %swap3A_154 = vector.shape_cast %add3A_150 : vector<16xf32> to vector<1x16xf32>
          tpu.vector_store %arg13[%swap3A, %swap3A_151], %swap3A_154 {strides = array<i32>} : memref<1536x64xf32, #tpu.memory_space<vmem>>, vector<1x16xf32>,
          %get3A_155 = arith.index_cast %squeeze3A : i32 to index
          %get3A_156 = arith.constant 16 : index
          %get3A_157 = tpu.vector_load %arg13[%get3A_155, %get3A_156] {strides = array<i32>} : memref<1536x64xf32, #tpu.memory_space<vmem>>, vector<1x16xf32>,
          %get3A_158 = vector.shape_cast %get3A_157 : vector<1x16xf32> to vector<16xf32>
          %get3A_159 = arith.index_cast %add3A_139 : i32 to index
          %get3A_160 = arith.constant 16 : index
          %get3A_161 = tpu.vector_load %arg12[%get3A_159, %get3A_160] {strides = array<i32>} : memref<128x64xf32, #tpu.memory_space<vmem>>, vector<1x16xf32>,
          %get3A_162 = vector.shape_cast %get3A_161 : vector<1x16xf32> to vector<16xf32>
          %mul3A_163 = vector.broadcast %squeeze3A_135 : f32 to vector<16xf32>
          %mul3A_164 = arith.mulf %get3A_162, %mul3A_163 : vector<16xf32>
          %add3A_165 = arith.addf %get3A_158, %mul3A_164 : vector<16xf32>
          %swap3A_166 = arith.index_cast %squeeze3A : i32 to index
          %swap3A_167 = arith.constant 16 : index
          %swap3A_168 = tpu.vector_load %arg13[%swap3A_166, %swap3A_167] {strides = array<i32>} : memref<1536x64xf32, #tpu.memory_space<vmem>>, vector<1x16xf32>,
          %swap3A_169 = vector.shape_cast %swap3A_168 : vector<1x16xf32> to vector<16xf32>
          %swap3A_170 = vector.shape_cast %add3A_165 : vector<16xf32> to vector<1x16xf32>
          tpu.vector_store %arg13[%swap3A_166, %swap3A_167], %swap3A_170 {strides = array<i32>} : memref<1536x64xf32, #tpu.memory_space<vmem>>, vector<1x16xf32>,
          %get3A_171 = arith.index_cast %squeeze3A : i32 to index
          %get3A_172 = arith.constant 32 : index
          %get3A_173 = tpu.vector_load %arg13[%get3A_171, %get3A_172] {strides = array<i32>} : memref<1536x64xf32, #tpu.memory_space<vmem>>, vector<1x16xf32>,
          %get3A_174 = vector.shape_cast %get3A_173 : vector<1x16xf32> to vector<16xf32>
          %get3A_175 = arith.index_cast %add3A_139 : i32 to index
          %get3A_176 = arith.constant 32 : index
          %get3A_177 = tpu.vector_load %arg12[%get3A_175, %get3A_176] {strides = array<i32>} : memref<128x64xf32, #tpu.memory_space<vmem>>, vector<1x16xf32>,
          %get3A_178 = vector.shape_cast %get3A_177 : vector<1x16xf32> to vector<16xf32>
          %mul3A_179 = vector.broadcast %squeeze3A_135 : f32 to vector<16xf32>
          %mul3A_180 = arith.mulf %get3A_178, %mul3A_179 : vector<16xf32>
          %add3A_181 = arith.addf %get3A_174, %mul3A_180 : vector<16xf32>
          %swap3A_182 = arith.index_cast %squeeze3A : i32 to index
          %swap3A_183 = arith.constant 32 : index
          %swap3A_184 = tpu.vector_load %arg13[%swap3A_182, %swap3A_183] {strides = array<i32>} : memref<1536x64xf32, #tpu.memory_space<vmem>>, vector<1x16xf32>,
          %swap3A_185 = vector.shape_cast %swap3A_184 : vector<1x16xf32> to vector<16xf32>
          %swap3A_186 = vector.shape_cast %add3A_181 : vector<16xf32> to vector<1x16xf32>
          tpu.vector_store %arg13[%swap3A_182, %swap3A_183], %swap3A_186 {strides = array<i32>} : memref<1536x64xf32, #tpu.memory_space<vmem>>, vector<1x16xf32>,
          %get3A_187 = arith.index_cast %squeeze3A : i32 to index
          %get3A_188 = arith.constant 48 : index
          %get3A_189 = tpu.vector_load %arg13[%get3A_187, %get3A_188] {strides = array<i32>} : memref<1536x64xf32, #tpu.memory_space<vmem>>, vector<1x16xf32>,
          %get3A_190 = vector.shape_cast %get3A_189 : vector<1x16xf32> to vector<16xf32>
          %get3A_191 = arith.index_cast %add3A_139 : i32 to index
          %get3A_192 = arith.constant 48 : index
          %get3A_193 = tpu.vector_load %arg12[%get3A_191, %get3A_192] {strides = array<i32>} : memref<128x64xf32, #tpu.memory_space<vmem>>, vector<1x16xf32>,
          %get3A_194 = vector.shape_cast %get3A_193 : vector<1x16xf32> to vector<16xf32>
          %mul3A_195 = vector.broadcast %squeeze3A_135 : f32 to vector<16xf32>
          %mul3A_196 = arith.mulf %get3A_194, %mul3A_195 : vector<16xf32>
          %add3A_197 = arith.addf %get3A_190, %mul3A_196 : vector<16xf32>
          %swap3A_198 = arith.index_cast %squeeze3A : i32 to index
          %swap3A_199 = arith.constant 48 : index
          %swap3A_200 = tpu.vector_load %arg13[%swap3A_198, %swap3A_199] {strides = array<i32>} : memref<1536x64xf32, #tpu.memory_space<vmem>>, vector<1x16xf32>,
          %swap3A_201 = vector.shape_cast %swap3A_200 : vector<1x16xf32> to vector<16xf32>
          %swap3A_202 = vector.shape_cast %add3A_197 : vector<16xf32> to vector<1x16xf32>
          tpu.vector_store %arg13[%swap3A_198, %swap3A_199], %swap3A_202 {strides = array<i32>} : memref<1536x64xf32, #tpu.memory_space<vmem>>, vector<1x16xf32>,
          %slice3A_203 = vector.extract_strided_slice %get3A_127 {offsets = [1], sizes = [1], strides = [1]} : vector<16xi32> to vector<1xi32>
          %squeeze3A_204 = vector.extract %slice3A_203[0] : i32 from vector<1xi32>
          %slice3A_205 = vector.extract_strided_slice %get3A_133 {offsets = [1], sizes = [1], strides = [1]} : vector<16xf32> to vector<1xf32>
          %squeeze3A_206 = vector.extract %slice3A_205[0] : f32 from vector<1xf32>
          %mul3A_207 = arith.constant 16 : i32
          %mul3A_208 = arith.muli %scan3A_121, %mul3A_207 : i32
          %add3A_209 = arith.constant 1 : i32
          %add3A_210 = arith.addi %mul3A_208, %add3A_209 : i32
          %get3A_211 = arith.index_cast %squeeze3A_204 : i32 to index
          %get3A_212 = arith.constant 0 : index
          %get3A_213 = tpu.vector_load %arg13[%get3A_211, %get3A_212] {strides = array<i32>} : memref<1536x64xf32, #tpu.memory_space<vmem>>, vector<1x16xf32>,
          %get3A_214 = vector.shape_cast %get3A_213 : vector<1x16xf32> to vector<16xf32>
          %get3A_215 = arith.index_cast %add3A_210 : i32 to index
          %get3A_216 = arith.constant 0 : index
          %get3A_217 = tpu.vector_load %arg12[%get3A_215, %get3A_216] {strides = array<i32>} : memref<128x64xf32, #tpu.memory_space<vmem>>, vector<1x16xf32>,
          %get3A_218 = vector.shape_cast %get3A_217 : vector<1x16xf32> to vector<16xf32>
          %mul3A_219 = vector.broadcast %squeeze3A_206 : f32 to vector<16xf32>
          %mul3A_220 = arith.mulf %get3A_218, %mul3A_219 : vector<16xf32>
          %add3A_221 = arith.addf %get3A_214, %mul3A_220 : vector<16xf32>
          %swap3A_222 = arith.index_cast %squeeze3A_204 : i32 to index
          %swap3A_223 = arith.constant 0 : index
          %swap3A_224 = tpu.vector_load %arg13[%swap3A_222, %swap3A_223] {strides = array<i32>} : memref<1536x64xf32, #tpu.memory_space<vmem>>, vector<1x16xf32>,
          %swap3A_225 = vector.shape_cast %swap3A_224 : vector<1x16xf32> to vector<16xf32>
          %swap3A_226 = vector.shape_cast %add3A_221 : vector<16xf32> to vector<1x16xf32>
          tpu.vector_store %arg13[%swap3A_222, %swap3A_223], %swap3A_226 {strides = array<i32>} : memref<1536x64xf32, #tpu.memory_space<vmem>>, vector<1x16xf32>,
          %get3A_227 = arith.index_cast %squeeze3A_204 : i32 to index
          %get3A_228 = arith.constant 16 : index
          %get3A_229 = tpu.vector_load %arg13[%get3A_227, %get3A_228] {strides = array<i32>} : memref<1536x64xf32, #tpu.memory_space<vmem>>, vector<1x16xf32>,
          %get3A_230 = vector.shape_cast %get3A_229 : vector<1x16xf32> to vector<16xf32>
          %get3A_231 = arith.index_cast %add3A_210 : i32 to index
          %get3A_232 = arith.constant 16 : index
          %get3A_233 = tpu.vector_load %arg12[%get3A_231, %get3A_232] {strides = array<i32>} : memref<128x64xf32, #tpu.memory_space<vmem>>, vector<1x16xf32>,
          %get3A_234 = vector.shape_cast %get3A_233 : vector<1x16xf32> to vector<16xf32>
          %mul3A_235 = vector.broadcast %squeeze3A_206 : f32 to vector<16xf32>
          %mul3A_236 = arith.mulf %get3A_234, %mul3A_235 : vector<16xf32>
          %add3A_237 = arith.addf %get3A_230, %mul3A_236 : vector<16xf32>
          %swap3A_238 = arith.index_cast %squeeze3A_204 : i32 to index
          %swap3A_239 = arith.constant 16 : index
          %swap3A_240 = tpu.vector_load %arg13[%swap3A_238, %swap3A_239] {strides = array<i32>} : memref<1536x64xf32, #tpu.memory_space<vmem>>, vector<1x16xf32>,
          %swap3A_241 = vector.shape_cast %swap3A_240 : vector<1x16xf32> to vector<16xf32>
          %swap3A_242 = vector.shape_cast %add3A_237 : vector<16xf32> to vector<1x16xf32>
          tpu.vector_store %arg13[%swap3A_238, %swap3A_239], %swap3A_242 {strides = array<i32>} : memref<1536x64xf32, #tpu.memory_space<vmem>>, vector<1x16xf32>,
          %get3A_243 = arith.index_cast %squeeze3A_204 : i32 to index
          %get3A_244 = arith.constant 32 : index
          %get3A_245 = tpu.vector_load %arg13[%get3A_243, %get3A_244] {strides = array<i32>} : memref<1536x64xf32, #tpu.memory_space<vmem>>, vector<1x16xf32>,
          %get3A_246 = vector.shape_cast %get3A_245 : vector<1x16xf32> to vector<16xf32>
          %get3A_247 = arith.index_cast %add3A_210 : i32 to index
          %get3A_248 = arith.constant 32 : index
          %get3A_249 = tpu.vector_load %arg12[%get3A_247, %get3A_248] {strides = array<i32>} : memref<128x64xf32, #tpu.memory_space<vmem>>, vector<1x16xf32>,
          %get3A_250 = vector.shape_cast %get3A_249 : vector<1x16xf32> to vector<16xf32>
          %mul3A_251 = vector.broadcast %squeeze3A_206 : f32 to vector<16xf32>
          %mul3A_252 = arith.mulf %get3A_250, %mul3A_251 : vector<16xf32>
          %add3A_253 = arith.addf %get3A_246, %mul3A_252 : vector<16xf32>
          %swap3A_254 = arith.index_cast %squeeze3A_204 : i32 to index
          %swap3A_255 = arith.constant 32 : index
          %swap3A_256 = tpu.vector_load %arg13[%swap3A_254, %swap3A_255] {strides = array<i32>} : memref<1536x64xf32, #tpu.memory_space<vmem>>, vector<1x16xf32>,
          %swap3A_257 = vector.shape_cast %swap3A_256 : vector<1x16xf32> to vector<16xf32>
          %swap3A_258 = vector.shape_cast %add3A_253 : vector<16xf32> to vector<1x16xf32>
          tpu.vector_store %arg13[%swap3A_254, %swap3A_255], %swap3A_258 {strides = array<i32>} : memref<1536x64xf32, #tpu.memory_space<vmem>>, vector<1x16xf32>,
          %get3A_259 = arith.index_cast %squeeze3A_204 : i32 to index
          %get3A_260 = arith.constant 48 : index
          %get3A_261 = tpu.vector_load %arg13[%get3A_259, %get3A_260] {strides = array<i32>} : memref<1536x64xf32, #tpu.memory_space<vmem>>, vector<1x16xf32>,
          %get3A_262 = vector.shape_cast %get3A_261 : vector<1x16xf32> to vector<16xf32>
          %get3A_263 = arith.index_cast %add3A_210 : i32 to index
          %get3A_264 = arith.constant 48 : index
          %get3A_265 = tpu.vector_load %arg12[%get3A_263, %get3A_264] {strides = array<i32>} : memref<128x64xf32, #tpu.memory_space<vmem>>, vector<1x16xf32>,
          %get3A_266 = vector.shape_cast %get3A_265 : vector<1x16xf32> to vector<16xf32>
          %mul3A_267 = vector.broadcast %squeeze3A_206 : f32 to vector<16xf32>
          %mul3A_268 = arith.mulf %get3A_266, %mul3A_267 : vector<16xf32>
          %add3A_269 = arith.addf %get3A_262, %mul3A_268 : vector<16xf32>
          %swap3A_270 = arith.index_cast %squeeze3A_204 : i32 to index
          %swap3A_271 = arith.constant 48 : index
          %swap3A_272 = tpu.vector_load %arg13[%swap3A_270, %swap3A_271] {strides = array<i32>} : memref<1536x64xf32, #tpu.memory_space<vmem>>, vector<1x16xf32>,
          %swap3A_273 = vector.shape_cast %swap3A_272 : vector<1x16xf32> to vector<16xf32>
          %swap3A_274 = vector.shape_cast %add3A_269 : vector<16xf32> to vector<1x16xf32>
          tpu.vector_store %arg13[%swap3A_270, %swap3A_271], %swap3A_274 {strides = array<i32>} : memref<1536x64xf32, #tpu.memory_space<vmem>>, vector<1x16xf32>,
          %slice3A_275 = vector.extract_strided_slice %get3A_127 {offsets = [2], sizes = [1], strides = [1]} : vector<16xi32> to vector<1xi32>
          %squeeze3A_276 = vector.extract %slice3A_275[0] : i32 from vector<1xi32>
          %slice3A_277 = vector.extract_strided_slice %get3A_133 {offsets = [2], sizes = [1], strides = [1]} : vector<16xf32> to vector<1xf32>
          %squeeze3A_278 = vector.extract %slice3A_277[0] : f32 from vector<1xf32>
          %mul3A_279 = arith.constant 16 : i32
          %mul3A_280 = arith.muli %scan3A_121, %mul3A_279 : i32
          %add3A_281 = arith.constant 2 : i32
          %add3A_282 = arith.addi %mul3A_280, %add3A_281 : i32
          %get3A_283 = arith.index_cast %squeeze3A_276 : i32 to index
          %get3A_284 = arith.constant 0 : index
          %get3A_285 = tpu.vector_load %arg13[%get3A_283, %get3A_284] {strides = array<i32>} : memref<1536x64xf32, #tpu.memory_space<vmem>>, vector<1x16xf32>,
          %get3A_286 = vector.shape_cast %get3A_285 : vector<1x16xf32> to vector<16xf32>
          %get3A_287 = arith.index_cast %add3A_282 : i32 to index
          %get3A_288 = arith.constant 0 : index
          %get3A_289 = tpu.vector_load %arg12[%get3A_287, %get3A_288] {strides = array<i32>} : memref<128x64xf32, #tpu.memory_space<vmem>>, vector<1x16xf32>,
          %get3A_290 = vector.shape_cast %get3A_289 : vector<1x16xf32> to vector<16xf32>
          %mul3A_291 = vector.broadcast %squeeze3A_278 : f32 to vector<16xf32>
          %mul3A_292 = arith.mulf %get3A_290, %mul3A_291 : vector<16xf32>
          %add3A_293 = arith.addf %get3A_286, %mul3A_292 : vector<16xf32>
          %swap3A_294 = arith.index_cast %squeeze3A_276 : i32 to index
          %swap3A_295 = arith.constant 0 : index
          %swap3A_296 = tpu.vector_load %arg13[%swap3A_294, %swap3A_295] {strides = array<i32>} : memref<1536x64xf32, #tpu.memory_space<vmem>>, vector<1x16xf32>,
          %swap3A_297 = vector.shape_cast %swap3A_296 : vector<1x16xf32> to vector<16xf32>
          %swap3A_298 = vector.shape_cast %add3A_293 : vector<16xf32> to vector<1x16xf32>
          tpu.vector_store %arg13[%swap3A_294, %swap3A_295], %swap3A_298 {strides = array<i32>} : memref<1536x64xf32, #tpu.memory_space<vmem>>, vector<1x16xf32>,
          %get3A_299 = arith.index_cast %squeeze3A_276 : i32 to index
          %get3A_300 = arith.constant 16 : index
          %get3A_301 = tpu.vector_load %arg13[%get3A_299, %get3A_300] {strides = array<i32>} : memref<1536x64xf32, #tpu.memory_space<vmem>>, vector<1x16xf32>,
          %get3A_302 = vector.shape_cast %get3A_301 : vector<1x16xf32> to vector<16xf32>
          %get3A_303 = arith.index_cast %add3A_282 : i32 to index
          %get3A_304 = arith.constant 16 : index
          %get3A_305 = tpu.vector_load %arg12[%get3A_303, %get3A_304] {strides = array<i32>} : memref<128x64xf32, #tpu.memory_space<vmem>>, vector<1x16xf32>,
          %get3A_306 = vector.shape_cast %get3A_305 : vector<1x16xf32> to vector<16xf32>
          %mul3A_307 = vector.broadcast %squeeze3A_278 : f32 to vector<16xf32>
          %mul3A_308 = arith.mulf %get3A_306, %mul3A_307 : vector<16xf32>
          %add3A_309 = arith.addf %get3A_302, %mul3A_308 : vector<16xf32>
          %swap3A_310 = arith.index_cast %squeeze3A_276 : i32 to index
          %swap3A_311 = arith.constant 16 : index
          %swap3A_312 = tpu.vector_load %arg13[%swap3A_310, %swap3A_311] {strides = array<i32>} : memref<1536x64xf32, #tpu.memory_space<vmem>>, vector<1x16xf32>,
          %swap3A_313 = vector.shape_cast %swap3A_312 : vector<1x16xf32> to vector<16xf32>
          %swap3A_314 = vector.shape_cast %add3A_309 : vector<16xf32> to vector<1x16xf32>
          tpu.vector_store %arg13[%swap3A_310, %swap3A_311], %swap3A_314 {strides = array<i32>} : memref<1536x64xf32, #tpu.memory_space<vmem>>, vector<1x16xf32>,
          %get3A_315 = arith.index_cast %squeeze3A_276 : i32 to index
          %get3A_316 = arith.constant 32 : index
          %get3A_317 = tpu.vector_load %arg13[%get3A_315, %get3A_316] {strides = array<i32>} : memref<1536x64xf32, #tpu.memory_space<vmem>>, vector<1x16xf32>,
          %get3A_318 = vector.shape_cast %get3A_317 : vector<1x16xf32> to vector<16xf32>
          %get3A_319 = arith.index_cast %add3A_282 : i32 to index
          %get3A_320 = arith.constant 32 : index
          %get3A_321 = tpu.vector_load %arg12[%get3A_319, %get3A_320] {strides = array<i32>} : memref<128x64xf32, #tpu.memory_space<vmem>>, vector<1x16xf32>,
          %get3A_322 = vector.shape_cast %get3A_321 : vector<1x16xf32> to vector<16xf32>
          %mul3A_323 = vector.broadcast %squeeze3A_278 : f32 to vector<16xf32>
          %mul3A_324 = arith.mulf %get3A_322, %mul3A_323 : vector<16xf32>
          %add3A_325 = arith.addf %get3A_318, %mul3A_324 : vector<16xf32>
          %swap3A_326 = arith.index_cast %squeeze3A_276 : i32 to index
          %swap3A_327 = arith.constant 32 : index
          %swap3A_328 = tpu.vector_load %arg13[%swap3A_326, %swap3A_327] {strides = array<i32>} : memref<1536x64xf32, #tpu.memory_space<vmem>>, vector<1x16xf32>,
          %swap3A_329 = vector.shape_cast %swap3A_328 : vector<1x16xf32> to vector<16xf32>
          %swap3A_330 = vector.shape_cast %add3A_325 : vector<16xf32> to vector<1x16xf32>
          tpu.vector_store %arg13[%swap3A_326, %swap3A_327], %swap3A_330 {strides = array<i32>} : memref<1536x64xf32, #tpu.memory_space<vmem>>, vector<1x16xf32>,
          %get3A_331 = arith.index_cast %squeeze3A_276 : i32 to index
          %get3A_332 = arith.constant 48 : index
          %get3A_333 = tpu.vector_load %arg13[%get3A_331, %get3A_332] {strides = array<i32>} : memref<1536x64xf32, #tpu.memory_space<vmem>>, vector<1x16xf32>,
          %get3A_334 = vector.shape_cast %get3A_333 : vector<1x16xf32> to vector<16xf32>
          %get3A_335 = arith.index_cast %add3A_282 : i32 to index
          %get3A_336 = arith.constant 48 : index
          %get3A_337 = tpu.vector_load %arg12[%get3A_335, %get3A_336] {strides = array<i32>} : memref<128x64xf32, #tpu.memory_space<vmem>>, vector<1x16xf32>,
          %get3A_338 = vector.shape_cast %get3A_337 : vector<1x16xf32> to vector<16xf32>
          %mul3A_339 = vector.broadcast %squeeze3A_278 : f32 to vector<16xf32>
          %mul3A_340 = arith.mulf %get3A_338, %mul3A_339 : vector<16xf32>
          %add3A_341 = arith.addf %get3A_334, %mul3A_340 : vector<16xf32>
          %swap3A_342 = arith.index_cast %squeeze3A_276 : i32 to index
          %swap3A_343 = arith.constant 48 : index
          %swap3A_344 = tpu.vector_load %arg13[%swap3A_342, %swap3A_343] {strides = array<i32>} : memref<1536x64xf32, #tpu.memory_space<vmem>>, vector<1x16xf32>,
          %swap3A_345 = vector.shape_cast %swap3A_344 : vector<1x16xf32> to vector<16xf32>
          %swap3A_346 = vector.shape_cast %add3A_341 : vector<16xf32> to vector<1x16xf32>
          tpu.vector_store %arg13[%swap3A_342, %swap3A_343], %swap3A_346 {strides = array<i32>} : memref<1536x64xf32, #tpu.memory_space<vmem>>, vector<1x16xf32>,
          %slice3A_347 = vector.extract_strided_slice %get3A_127 {offsets = [3], sizes = [1], strides = [1]} : vector<16xi32> to vector<1xi32>
          %squeeze3A_348 = vector.extract %slice3A_347[0] : i32 from vector<1xi32>
          %slice3A_349 = vector.extract_strided_slice %get3A_133 {offsets = [3], sizes = [1], strides = [1]} : vector<16xf32> to vector<1xf32>
          %squeeze3A_350 = vector.extract %slice3A_349[0] : f32 from vector<1xf32>
          %mul3A_351 = arith.constant 16 : i32
          %mul3A_352 = arith.muli %scan3A_121, %mul3A_351 : i32
          %add3A_353 = arith.constant 3 : i32
          %add3A_354 = arith.addi %mul3A_352, %add3A_353 : i32
          %get3A_355 = arith.index_cast %squeeze3A_348 : i32 to index
          %get3A_356 = arith.constant 0 : index
          %get3A_357 = tpu.vector_load %arg13[%get3A_355, %get3A_356] {strides = array<i32>} : memref<1536x64xf32, #tpu.memory_space<vmem>>, vector<1x16xf32>,
          %get3A_358 = vector.shape_cast %get3A_357 : vector<1x16xf32> to vector<16xf32>
          %get3A_359 = arith.index_cast %add3A_354 : i32 to index
          %get3A_360 = arith.constant 0 : index
          %get3A_361 = tpu.vector_load %arg12[%get3A_359, %get3A_360] {strides = array<i32>} : memref<128x64xf32, #tpu.memory_space<vmem>>, vector<1x16xf32>,
          %get3A_362 = vector.shape_cast %get3A_361 : vector<1x16xf32> to vector<16xf32>
          %mul3A_363 = vector.broadcast %squeeze3A_350 : f32 to vector<16xf32>
          %mul3A_364 = arith.mulf %get3A_362, %mul3A_363 : vector<16xf32>
          %add3A_365 = arith.addf %get3A_358, %mul3A_364 : vector<16xf32>
          %swap3A_366 = arith.index_cast %squeeze3A_348 : i32 to index
          %swap3A_367 = arith.constant 0 : index
          %swap3A_368 = tpu.vector_load %arg13[%swap3A_366, %swap3A_367] {strides = array<i32>} : memref<1536x64xf32, #tpu.memory_space<vmem>>, vector<1x16xf32>,
          %swap3A_369 = vector.shape_cast %swap3A_368 : vector<1x16xf32> to vector<16xf32>
          %swap3A_370 = vector.shape_cast %add3A_365 : vector<16xf32> to vector<1x16xf32>
          tpu.vector_store %arg13[%swap3A_366, %swap3A_367], %swap3A_370 {strides = array<i32>} : memref<1536x64xf32, #tpu.memory_space<vmem>>, vector<1x16xf32>,
          %get3A_371 = arith.index_cast %squeeze3A_348 : i32 to index
          %get3A_372 = arith.constant 16 : index
          %get3A_373 = tpu.vector_load %arg13[%get3A_371, %get3A_372] {strides = array<i32>} : memref<1536x64xf32, #tpu.memory_space<vmem>>, vector<1x16xf32>,
          %get3A_374 = vector.shape_cast %get3A_373 : vector<1x16xf32> to vector<16xf32>
          %get3A_375 = arith.index_cast %add3A_354 : i32 to index
          %get3A_376 = arith.constant 16 : index
          %get3A_377 = tpu.vector_load %arg12[%get3A_375, %get3A_376] {strides = array<i32>} : memref<128x64xf32, #tpu.memory_space<vmem>>, vector<1x16xf32>,
          %get3A_378 = vector.shape_cast %get3A_377 : vector<1x16xf32> to vector<16xf32>
          %mul3A_379 = vector.broadcast %squeeze3A_350 : f32 to vector<16xf32>
          %mul3A_380 = arith.mulf %get3A_378, %mul3A_379 : vector<16xf32>
          %add3A_381 = arith.addf %get3A_374, %mul3A_380 : vector<16xf32>
          %swap3A_382 = arith.index_cast %squeeze3A_348 : i32 to index
          %swap3A_383 = arith.constant 16 : index
          %swap3A_384 = tpu.vector_load %arg13[%swap3A_382, %swap3A_383] {strides = array<i32>} : memref<1536x64xf32, #tpu.memory_space<vmem>>, vector<1x16xf32>,
          %swap3A_385 = vector.shape_cast %swap3A_384 : vector<1x16xf32> to vector<16xf32>
          %swap3A_386 = vector.shape_cast %add3A_381 : vector<16xf32> to vector<1x16xf32>
          tpu.vector_store %arg13[%swap3A_382, %swap3A_383], %swap3A_386 {strides = array<i32>} : memref<1536x64xf32, #tpu.memory_space<vmem>>, vector<1x16xf32>,
          %get3A_387 = arith.index_cast %squeeze3A_348 : i32 to index
          %get3A_388 = arith.constant 32 : index
          %get3A_389 = tpu.vector_load %arg13[%get3A_387, %get3A_388] {strides = array<i32>} : memref<1536x64xf32, #tpu.memory_space<vmem>>, vector<1x16xf32>,
          %get3A_390 = vector.shape_cast %get3A_389 : vector<1x16xf32> to vector<16xf32>
          %get3A_391 = arith.index_cast %add3A_354 : i32 to index
          %get3A_392 = arith.constant 32 : index
          %get3A_393 = tpu.vector_load %arg12[%get3A_391, %get3A_392] {strides = array<i32>} : memref<128x64xf32, #tpu.memory_space<vmem>>, vector<1x16xf32>,
          %get3A_394 = vector.shape_cast %get3A_393 : vector<1x16xf32> to vector<16xf32>
          %mul3A_395 = vector.broadcast %squeeze3A_350 : f32 to vector<16xf32>
          %mul3A_396 = arith.mulf %get3A_394, %mul3A_395 : vector<16xf32>
          %add3A_397 = arith.addf %get3A_390, %mul3A_396 : vector<16xf32>
          %swap3A_398 = arith.index_cast %squeeze3A_348 : i32 to index
          %swap3A_399 = arith.constant 32 : index
          %swap3A_400 = tpu.vector_load %arg13[%swap3A_398, %swap3A_399] {strides = array<i32>} : memref<1536x64xf32, #tpu.memory_space<vmem>>, vector<1x16xf32>,
          %swap3A_401 = vector.shape_cast %swap3A_400 : vector<1x16xf32> to vector<16xf32>
          %swap3A_402 = vector.shape_cast %add3A_397 : vector<16xf32> to vector<1x16xf32>
          tpu.vector_store %arg13[%swap3A_398, %swap3A_399], %swap3A_402 {strides = array<i32>} : memref<1536x64xf32, #tpu.memory_space<vmem>>, vector<1x16xf32>,
          %get3A_403 = arith.index_cast %squeeze3A_348 : i32 to index
          %get3A_404 = arith.constant 48 : index
          %get3A_405 = tpu.vector_load %arg13[%get3A_403, %get3A_404] {strides = array<i32>} : memref<1536x64xf32, #tpu.memory_space<vmem>>, vector<1x16xf32>,
          %get3A_406 = vector.shape_cast %get3A_405 : vector<1x16xf32> to vector<16xf32>
          %get3A_407 = arith.index_cast %add3A_354 : i32 to index
          %get3A_408 = arith.constant 48 : index
          %get3A_409 = tpu.vector_load %arg12[%get3A_407, %get3A_408] {strides = array<i32>} : memref<128x64xf32, #tpu.memory_space<vmem>>, vector<1x16xf32>,
          %get3A_410 = vector.shape_cast %get3A_409 : vector<1x16xf32> to vector<16xf32>
          %mul3A_411 = vector.broadcast %squeeze3A_350 : f32 to vector<16xf32>
          %mul3A_412 = arith.mulf %get3A_410, %mul3A_411 : vector<16xf32>
          %add3A_413 = arith.addf %get3A_406, %mul3A_412 : vector<16xf32>
          %swap3A_414 = arith.index_cast %squeeze3A_348 : i32 to index
          %swap3A_415 = arith.constant 48 : index
          %swap3A_416 = tpu.vector_load %arg13[%swap3A_414, %swap3A_415] {strides = array<i32>} : memref<1536x64xf32, #tpu.memory_space<vmem>>, vector<1x16xf32>,
          %swap3A_417 = vector.shape_cast %swap3A_416 : vector<1x16xf32> to vector<16xf32>
          %swap3A_418 = vector.shape_cast %add3A_413 : vector<16xf32> to vector<1x16xf32>
          tpu.vector_store %arg13[%swap3A_414, %swap3A_415], %swap3A_418 {strides = array<i32>} : memref<1536x64xf32, #tpu.memory_space<vmem>>, vector<1x16xf32>,
          %slice3A_419 = vector.extract_strided_slice %get3A_127 {offsets = [4], sizes = [1], strides = [1]} : vector<16xi32> to vector<1xi32>
          %squeeze3A_420 = vector.extract %slice3A_419[0] : i32 from vector<1xi32>
          %slice3A_421 = vector.extract_strided_slice %get3A_133 {offsets = [4], sizes = [1], strides = [1]} : vector<16xf32> to vector<1xf32>
          %squeeze3A_422 = vector.extract %slice3A_421[0] : f32 from vector<1xf32>
          %mul3A_423 = arith.constant 16 : i32
          %mul3A_424 = arith.muli %scan3A_121, %mul3A_423 : i32
          %add3A_425 = arith.constant 4 : i32
          %add3A_426 = arith.addi %mul3A_424, %add3A_425 : i32
          %get3A_427 = arith.index_cast %squeeze3A_420 : i32 to index
          %get3A_428 = arith.constant 0 : index
          %get3A_429 = tpu.vector_load %arg13[%get3A_427, %get3A_428] {strides = array<i32>} : memref<1536x64xf32, #tpu.memory_space<vmem>>, vector<1x16xf32>,
          %get3A_430 = vector.shape_cast %get3A_429 : vector<1x16xf32> to vector<16xf32>
          %get3A_431 = arith.index_cast %add3A_426 : i32 to index
          %get3A_432 = arith.constant 0 : index
          %get3A_433 = tpu.vector_load %arg12[%get3A_431, %get3A_432] {strides = array<i32>} : memref<128x64xf32, #tpu.memory_space<vmem>>, vector<1x16xf32>,
          %get3A_434 = vector.shape_cast %get3A_433 : vector<1x16xf32> to vector<16xf32>
          %mul3A_435 = vector.broadcast %squeeze3A_422 : f32 to vector<16xf32>
          %mul3A_436 = arith.mulf %get3A_434, %mul3A_435 : vector<16xf32>
          %add3A_437 = arith.addf %get3A_430, %mul3A_436 : vector<16xf32>
          %swap3A_438 = arith.index_cast %squeeze3A_420 : i32 to index
          %swap3A_439 = arith.constant 0 : index
          %swap3A_440 = tpu.vector_load %arg13[%swap3A_438, %swap3A_439] {strides = array<i32>} : memref<1536x64xf32, #tpu.memory_space<vmem>>, vector<1x16xf32>,
          %swap3A_441 = vector.shape_cast %swap3A_440 : vector<1x16xf32> to vector<16xf32>
          %swap3A_442 = vector.shape_cast %add3A_437 : vector<16xf32> to vector<1x16xf32>
          tpu.vector_store %arg13[%swap3A_438, %swap3A_439], %swap3A_442 {strides = array<i32>} : memref<1536x64xf32, #tpu.memory_space<vmem>>, vector<1x16xf32>,
          %get3A_443 = arith.index_cast %squeeze3A_420 : i32 to index
          %get3A_444 = arith.constant 16 : index
          %get3A_445 = tpu.vector_load %arg13[%get3A_443, %get3A_444] {strides = array<i32>} : memref<1536x64xf32, #tpu.memory_space<vmem>>, vector<1x16xf32>,
          %get3A_446 = vector.shape_cast %get3A_445 : vector<1x16xf32> to vector<16xf32>
          %get3A_447 = arith.index_cast %add3A_426 : i32 to index
          %get3A_448 = arith.constant 16 : index
          %get3A_449 = tpu.vector_load %arg12[%get3A_447, %get3A_448] {strides = array<i32>} : memref<128x64xf32, #tpu.memory_space<vmem>>, vector<1x16xf32>,
          %get3A_450 = vector.shape_cast %get3A_449 : vector<1x16xf32> to vector<16xf32>
          %mul3A_451 = vector.broadcast %squeeze3A_422 : f32 to vector<16xf32>
          %mul3A_452 = arith.mulf %get3A_450, %mul3A_451 : vector<16xf32>
          %add3A_453 = arith.addf %get3A_446, %mul3A_452 : vector<16xf32>
          %swap3A_454 = arith.index_cast %squeeze3A_420 : i32 to index
          %swap3A_455 = arith.constant 16 : index
          %swap3A_456 = tpu.vector_load %arg13[%swap3A_454, %swap3A_455] {strides = array<i32>} : memref<1536x64xf32, #tpu.memory_space<vmem>>, vector<1x16xf32>,
          %swap3A_457 = vector.shape_cast %swap3A_456 : vector<1x16xf32> to vector<16xf32>
          %swap3A_458 = vector.shape_cast %add3A_453 : vector<16xf32> to vector<1x16xf32>
          tpu.vector_store %arg13[%swap3A_454, %swap3A_455], %swap3A_458 {strides = array<i32>} : memref<1536x64xf32, #tpu.memory_space<vmem>>, vector<1x16xf32>,
          %get3A_459 = arith.index_cast %squeeze3A_420 : i32 to index
          %get3A_460 = arith.constant 32 : index
          %get3A_461 = tpu.vector_load %arg13[%get3A_459, %get3A_460] {strides = array<i32>} : memref<1536x64xf32, #tpu.memory_space<vmem>>, vector<1x16xf32>,
          %get3A_462 = vector.shape_cast %get3A_461 : vector<1x16xf32> to vector<16xf32>
          %get3A_463 = arith.index_cast %add3A_426 : i32 to index
          %get3A_464 = arith.constant 32 : index
          %get3A_465 = tpu.vector_load %arg12[%get3A_463, %get3A_464] {strides = array<i32>} : memref<128x64xf32, #tpu.memory_space<vmem>>, vector<1x16xf32>,
          %get3A_466 = vector.shape_cast %get3A_465 : vector<1x16xf32> to vector<16xf32>
          %mul3A_467 = vector.broadcast %squeeze3A_422 : f32 to vector<16xf32>
          %mul3A_468 = arith.mulf %get3A_466, %mul3A_467 : vector<16xf32>
          %add3A_469 = arith.addf %get3A_462, %mul3A_468 : vector<16xf32>
          %swap3A_470 = arith.index_cast %squeeze3A_420 : i32 to index
          %swap3A_471 = arith.constant 32 : index
          %swap3A_472 = tpu.vector_load %arg13[%swap3A_470, %swap3A_471] {strides = array<i32>} : memref<1536x64xf32, #tpu.memory_space<vmem>>, vector<1x16xf32>,
          %swap3A_473 = vector.shape_cast %swap3A_472 : vector<1x16xf32> to vector<16xf32>
          %swap3A_474 = vector.shape_cast %add3A_469 : vector<16xf32> to vector<1x16xf32>
          tpu.vector_store %arg13[%swap3A_470, %swap3A_471], %swap3A_474 {strides = array<i32>} : memref<1536x64xf32, #tpu.memory_space<vmem>>, vector<1x16xf32>,
          %get3A_475 = arith.index_cast %squeeze3A_420 : i32 to index
          %get3A_476 = arith.constant 48 : index
          %get3A_477 = tpu.vector_load %arg13[%get3A_475, %get3A_476] {strides = array<i32>} : memref<1536x64xf32, #tpu.memory_space<vmem>>, vector<1x16xf32>,
          %get3A_478 = vector.shape_cast %get3A_477 : vector<1x16xf32> to vector<16xf32>
          %get3A_479 = arith.index_cast %add3A_426 : i32 to index
          %get3A_480 = arith.constant 48 : index
          %get3A_481 = tpu.vector_load %arg12[%get3A_479, %get3A_480] {strides = array<i32>} : memref<128x64xf32, #tpu.memory_space<vmem>>, vector<1x16xf32>,
          %get3A_482 = vector.shape_cast %get3A_481 : vector<1x16xf32> to vector<16xf32>
          %mul3A_483 = vector.broadcast %squeeze3A_422 : f32 to vector<16xf32>
          %mul3A_484 = arith.mulf %get3A_482, %mul3A_483 : vector<16xf32>
          %add3A_485 = arith.addf %get3A_478, %mul3A_484 : vector<16xf32>
          %swap3A_486 = arith.index_cast %squeeze3A_420 : i32 to index
          %swap3A_487 = arith.constant 48 : index
          %swap3A_488 = tpu.vector_load %arg13[%swap3A_486, %swap3A_487] {strides = array<i32>} : memref<1536x64xf32, #tpu.memory_space<vmem>>, vector<1x16xf32>,
          %swap3A_489 = vector.shape_cast %swap3A_488 : vector<1x16xf32> to vector<16xf32>
          %swap3A_490 = vector.shape_cast %add3A_485 : vector<16xf32> to vector<1x16xf32>
          tpu.vector_store %arg13[%swap3A_486, %swap3A_487], %swap3A_490 {strides = array<i32>} : memref<1536x64xf32, #tpu.memory_space<vmem>>, vector<1x16xf32>,
          %slice3A_491 = vector.extract_strided_slice %get3A_127 {offsets = [5], sizes = [1], strides = [1]} : vector<16xi32> to vector<1xi32>
          %squeeze3A_492 = vector.extract %slice3A_491[0] : i32 from vector<1xi32>
          %slice3A_493 = vector.extract_strided_slice %get3A_133 {offsets = [5], sizes = [1], strides = [1]} : vector<16xf32> to vector<1xf32>
          %squeeze3A_494 = vector.extract %slice3A_493[0] : f32 from vector<1xf32>
          %mul3A_495 = arith.constant 16 : i32
          %mul3A_496 = arith.muli %scan3A_121, %mul3A_495 : i32
          %add3A_497 = arith.constant 5 : i32
          %add3A_498 = arith.addi %mul3A_496, %add3A_497 : i32
          %get3A_499 = arith.index_cast %squeeze3A_492 : i32 to index
          %get3A_500 = arith.constant 0 : index
          %get3A_501 = tpu.vector_load %arg13[%get3A_499, %get3A_500] {strides = array<i32>} : memref<1536x64xf32, #tpu.memory_space<vmem>>, vector<1x16xf32>,
          %get3A_502 = vector.shape_cast %get3A_501 : vector<1x16xf32> to vector<16xf32>
          %get3A_503 = arith.index_cast %add3A_498 : i32 to index
          %get3A_504 = arith.constant 0 : index
          %get3A_505 = tpu.vector_load %arg12[%get3A_503, %get3A_504] {strides = array<i32>} : memref<128x64xf32, #tpu.memory_space<vmem>>, vector<1x16xf32>,
          %get3A_506 = vector.shape_cast %get3A_505 : vector<1x16xf32> to vector<16xf32>
          %mul3A_507 = vector.broadcast %squeeze3A_494 : f32 to vector<16xf32>
          %mul3A_508 = arith.mulf %get3A_506, %mul3A_507 : vector<16xf32>
          %add3A_509 = arith.addf %get3A_502, %mul3A_508 : vector<16xf32>
          %swap3A_510 = arith.index_cast %squeeze3A_492 : i32 to index
          %swap3A_511 = arith.constant 0 : index
          %swap3A_512 = tpu.vector_load %arg13[%swap3A_510, %swap3A_511] {strides = array<i32>} : memref<1536x64xf32, #tpu.memory_space<vmem>>, vector<1x16xf32>,
          %swap3A_513 = vector.shape_cast %swap3A_512 : vector<1x16xf32> to vector<16xf32>
          %swap3A_514 = vector.shape_cast %add3A_509 : vector<16xf32> to vector<1x16xf32>
          tpu.vector_store %arg13[%swap3A_510, %swap3A_511], %swap3A_514 {strides = array<i32>} : memref<1536x64xf32, #tpu.memory_space<vmem>>, vector<1x16xf32>,
          %get3A_515 = arith.index_cast %squeeze3A_492 : i32 to index
          %get3A_516 = arith.constant 16 : index
          %get3A_517 = tpu.vector_load %arg13[%get3A_515, %get3A_516] {strides = array<i32>} : memref<1536x64xf32, #tpu.memory_space<vmem>>, vector<1x16xf32>,
          %get3A_518 = vector.shape_cast %get3A_517 : vector<1x16xf32> to vector<16xf32>
          %get3A_519 = arith.index_cast %add3A_498 : i32 to index
          %get3A_520 = arith.constant 16 : index
          %get3A_521 = tpu.vector_load %arg12[%get3A_519, %get3A_520] {strides = array<i32>} : memref<128x64xf32, #tpu.memory_space<vmem>>, vector<1x16xf32>,
          %get3A_522 = vector.shape_cast %get3A_521 : vector<1x16xf32> to vector<16xf32>
          %mul3A_523 = vector.broadcast %squeeze3A_494 : f32 to vector<16xf32>
          %mul3A_524 = arith.mulf %get3A_522, %mul3A_523 : vector<16xf32>
          %add3A_525 = arith.addf %get3A_518, %mul3A_524 : vector<16xf32>
          %swap3A_526 = arith.index_cast %squeeze3A_492 : i32 to index
          %swap3A_527 = arith.constant 16 : index
          %swap3A_528 = tpu.vector_load %arg13[%swap3A_526, %swap3A_527] {strides = array<i32>} : memref<1536x64xf32, #tpu.memory_space<vmem>>, vector<1x16xf32>,
          %swap3A_529 = vector.shape_cast %swap3A_528 : vector<1x16xf32> to vector<16xf32>
          %swap3A_530 = vector.shape_cast %add3A_525 : vector<16xf32> to vector<1x16xf32>
          tpu.vector_store %arg13[%swap3A_526, %swap3A_527], %swap3A_530 {strides = array<i32>} : memref<1536x64xf32, #tpu.memory_space<vmem>>, vector<1x16xf32>,
          %get3A_531 = arith.index_cast %squeeze3A_492 : i32 to index
          %get3A_532 = arith.constant 32 : index
          %get3A_533 = tpu.vector_load %arg13[%get3A_531, %get3A_532] {strides = array<i32>} : memref<1536x64xf32, #tpu.memory_space<vmem>>, vector<1x16xf32>,
          %get3A_534 = vector.shape_cast %get3A_533 : vector<1x16xf32> to vector<16xf32>
          %get3A_535 = arith.index_cast %add3A_498 : i32 to index
          %get3A_536 = arith.constant 32 : index
          %get3A_537 = tpu.vector_load %arg12[%get3A_535, %get3A_536] {strides = array<i32>} : memref<128x64xf32, #tpu.memory_space<vmem>>, vector<1x16xf32>,
          %get3A_538 = vector.shape_cast %get3A_537 : vector<1x16xf32> to vector<16xf32>
          %mul3A_539 = vector.broadcast %squeeze3A_494 : f32 to vector<16xf32>
          %mul3A_540 = arith.mulf %get3A_538, %mul3A_539 : vector<16xf32>
          %add3A_541 = arith.addf %get3A_534, %mul3A_540 : vector<16xf32>
          %swap3A_542 = arith.index_cast %squeeze3A_492 : i32 to index
          %swap3A_543 = arith.constant 32 : index
          %swap3A_544 = tpu.vector_load %arg13[%swap3A_542, %swap3A_543] {strides = array<i32>} : memref<1536x64xf32, #tpu.memory_space<vmem>>, vector<1x16xf32>,
          %swap3A_545 = vector.shape_cast %swap3A_544 : vector<1x16xf32> to vector<16xf32>
          %swap3A_546 = vector.shape_cast %add3A_541 : vector<16xf32> to vector<1x16xf32>
          tpu.vector_store %arg13[%swap3A_542, %swap3A_543], %swap3A_546 {strides = array<i32>} : memref<1536x64xf32, #tpu.memory_space<vmem>>, vector<1x16xf32>,
          %get3A_547 = arith.index_cast %squeeze3A_492 : i32 to index
          %get3A_548 = arith.constant 48 : index
          %get3A_549 = tpu.vector_load %arg13[%get3A_547, %get3A_548] {strides = array<i32>} : memref<1536x64xf32, #tpu.memory_space<vmem>>, vector<1x16xf32>,
          %get3A_550 = vector.shape_cast %get3A_549 : vector<1x16xf32> to vector<16xf32>
          %get3A_551 = arith.index_cast %add3A_498 : i32 to index
          %get3A_552 = arith.constant 48 : index
          %get3A_553 = tpu.vector_load %arg12[%get3A_551, %get3A_552] {strides = array<i32>} : memref<128x64xf32, #tpu.memory_space<vmem>>, vector<1x16xf32>,
          %get3A_554 = vector.shape_cast %get3A_553 : vector<1x16xf32> to vector<16xf32>
          %mul3A_555 = vector.broadcast %squeeze3A_494 : f32 to vector<16xf32>
          %mul3A_556 = arith.mulf %get3A_554, %mul3A_555 : vector<16xf32>
          %add3A_557 = arith.addf %get3A_550, %mul3A_556 : vector<16xf32>
          %swap3A_558 = arith.index_cast %squeeze3A_492 : i32 to index
          %swap3A_559 = arith.constant 48 : index
          %swap3A_560 = tpu.vector_load %arg13[%swap3A_558, %swap3A_559] {strides = array<i32>} : memref<1536x64xf32, #tpu.memory_space<vmem>>, vector<1x16xf32>,
          %swap3A_561 = vector.shape_cast %swap3A_560 : vector<1x16xf32> to vector<16xf32>
          %swap3A_562 = vector.shape_cast %add3A_557 : vector<16xf32> to vector<1x16xf32>
          tpu.vector_store %arg13[%swap3A_558, %swap3A_559], %swap3A_562 {strides = array<i32>} : memref<1536x64xf32, #tpu.memory_space<vmem>>, vector<1x16xf32>,
          %slice3A_563 = vector.extract_strided_slice %get3A_127 {offsets = [6], sizes = [1], strides = [1]} : vector<16xi32> to vector<1xi32>
          %squeeze3A_564 = vector.extract %slice3A_563[0] : i32 from vector<1xi32>
          %slice3A_565 = vector.extract_strided_slice %get3A_133 {offsets = [6], sizes = [1], strides = [1]} : vector<16xf32> to vector<1xf32>
          %squeeze3A_566 = vector.extract %slice3A_565[0] : f32 from vector<1xf32>
          %mul3A_567 = arith.constant 16 : i32
          %mul3A_568 = arith.muli %scan3A_121, %mul3A_567 : i32
          %add3A_569 = arith.constant 6 : i32
          %add3A_570 = arith.addi %mul3A_568, %add3A_569 : i32
          %get3A_571 = arith.index_cast %squeeze3A_564 : i32 to index
          %get3A_572 = arith.constant 0 : index
          %get3A_573 = tpu.vector_load %arg13[%get3A_571, %get3A_572] {strides = array<i32>} : memref<1536x64xf32, #tpu.memory_space<vmem>>, vector<1x16xf32>,
          %get3A_574 = vector.shape_cast %get3A_573 : vector<1x16xf32> to vector<16xf32>
          %get3A_575 = arith.index_cast %add3A_570 : i32 to index
          %get3A_576 = arith.constant 0 : index
          %get3A_577 = tpu.vector_load %arg12[%get3A_575, %get3A_576] {strides = array<i32>} : memref<128x64xf32, #tpu.memory_space<vmem>>, vector<1x16xf32>,
          %get3A_578 = vector.shape_cast %get3A_577 : vector<1x16xf32> to vector<16xf32>
          %mul3A_579 = vector.broadcast %squeeze3A_566 : f32 to vector<16xf32>
          %mul3A_580 = arith.mulf %get3A_578, %mul3A_579 : vector<16xf32>
          %add3A_581 = arith.addf %get3A_574, %mul3A_580 : vector<16xf32>
          %swap3A_582 = arith.index_cast %squeeze3A_564 : i32 to index
          %swap3A_583 = arith.constant 0 : index
          %swap3A_584 = tpu.vector_load %arg13[%swap3A_582, %swap3A_583] {strides = array<i32>} : memref<1536x64xf32, #tpu.memory_space<vmem>>, vector<1x16xf32>,
          %swap3A_585 = vector.shape_cast %swap3A_584 : vector<1x16xf32> to vector<16xf32>
          %swap3A_586 = vector.shape_cast %add3A_581 : vector<16xf32> to vector<1x16xf32>
          tpu.vector_store %arg13[%swap3A_582, %swap3A_583], %swap3A_586 {strides = array<i32>} : memref<1536x64xf32, #tpu.memory_space<vmem>>, vector<1x16xf32>,
          %get3A_587 = arith.index_cast %squeeze3A_564 : i32 to index
          %get3A_588 = arith.constant 16 : index
          %get3A_589 = tpu.vector_load %arg13[%get3A_587, %get3A_588] {strides = array<i32>} : memref<1536x64xf32, #tpu.memory_space<vmem>>, vector<1x16xf32>,
          %get3A_590 = vector.shape_cast %get3A_589 : vector<1x16xf32> to vector<16xf32>
          %get3A_591 = arith.index_cast %add3A_570 : i32 to index
          %get3A_592 = arith.constant 16 : index
          %get3A_593 = tpu.vector_load %arg12[%get3A_591, %get3A_592] {strides = array<i32>} : memref<128x64xf32, #tpu.memory_space<vmem>>, vector<1x16xf32>,
          %get3A_594 = vector.shape_cast %get3A_593 : vector<1x16xf32> to vector<16xf32>
          %mul3A_595 = vector.broadcast %squeeze3A_566 : f32 to vector<16xf32>
          %mul3A_596 = arith.mulf %get3A_594, %mul3A_595 : vector<16xf32>
          %add3A_597 = arith.addf %get3A_590, %mul3A_596 : vector<16xf32>
          %swap3A_598 = arith.index_cast %squeeze3A_564 : i32 to index
          %swap3A_599 = arith.constant 16 : index
          %swap3A_600 = tpu.vector_load %arg13[%swap3A_598, %swap3A_599] {strides = array<i32>} : memref<1536x64xf32, #tpu.memory_space<vmem>>, vector<1x16xf32>,
          %swap3A_601 = vector.shape_cast %swap3A_600 : vector<1x16xf32> to vector<16xf32>
          %swap3A_602 = vector.shape_cast %add3A_597 : vector<16xf32> to vector<1x16xf32>
          tpu.vector_store %arg13[%swap3A_598, %swap3A_599], %swap3A_602 {strides = array<i32>} : memref<1536x64xf32, #tpu.memory_space<vmem>>, vector<1x16xf32>,
          %get3A_603 = arith.index_cast %squeeze3A_564 : i32 to index
          %get3A_604 = arith.constant 32 : index
          %get3A_605 = tpu.vector_load %arg13[%get3A_603, %get3A_604] {strides = array<i32>} : memref<1536x64xf32, #tpu.memory_space<vmem>>, vector<1x16xf32>,
          %get3A_606 = vector.shape_cast %get3A_605 : vector<1x16xf32> to vector<16xf32>
          %get3A_607 = arith.index_cast %add3A_570 : i32 to index
          %get3A_608 = arith.constant 32 : index
          %get3A_609 = tpu.vector_load %arg12[%get3A_607, %get3A_608] {strides = array<i32>} : memref<128x64xf32, #tpu.memory_space<vmem>>, vector<1x16xf32>,
          %get3A_610 = vector.shape_cast %get3A_609 : vector<1x16xf32> to vector<16xf32>
          %mul3A_611 = vector.broadcast %squeeze3A_566 : f32 to vector<16xf32>
          %mul3A_612 = arith.mulf %get3A_610, %mul3A_611 : vector<16xf32>
          %add3A_613 = arith.addf %get3A_606, %mul3A_612 : vector<16xf32>
          %swap3A_614 = arith.index_cast %squeeze3A_564 : i32 to index
          %swap3A_615 = arith.constant 32 : index
          %swap3A_616 = tpu.vector_load %arg13[%swap3A_614, %swap3A_615] {strides = array<i32>} : memref<1536x64xf32, #tpu.memory_space<vmem>>, vector<1x16xf32>,
          %swap3A_617 = vector.shape_cast %swap3A_616 : vector<1x16xf32> to vector<16xf32>
          %swap3A_618 = vector.shape_cast %add3A_613 : vector<16xf32> to vector<1x16xf32>
          tpu.vector_store %arg13[%swap3A_614, %swap3A_615], %swap3A_618 {strides = array<i32>} : memref<1536x64xf32, #tpu.memory_space<vmem>>, vector<1x16xf32>,
          %get3A_619 = arith.index_cast %squeeze3A_564 : i32 to index
          %get3A_620 = arith.constant 48 : index
          %get3A_621 = tpu.vector_load %arg13[%get3A_619, %get3A_620] {strides = array<i32>} : memref<1536x64xf32, #tpu.memory_space<vmem>>, vector<1x16xf32>,
          %get3A_622 = vector.shape_cast %get3A_621 : vector<1x16xf32> to vector<16xf32>
          %get3A_623 = arith.index_cast %add3A_570 : i32 to index
          %get3A_624 = arith.constant 48 : index
          %get3A_625 = tpu.vector_load %arg12[%get3A_623, %get3A_624] {strides = array<i32>} : memref<128x64xf32, #tpu.memory_space<vmem>>, vector<1x16xf32>,
          %get3A_626 = vector.shape_cast %get3A_625 : vector<1x16xf32> to vector<16xf32>
          %mul3A_627 = vector.broadcast %squeeze3A_566 : f32 to vector<16xf32>
          %mul3A_628 = arith.mulf %get3A_626, %mul3A_627 : vector<16xf32>
          %add3A_629 = arith.addf %get3A_622, %mul3A_628 : vector<16xf32>
          %swap3A_630 = arith.index_cast %squeeze3A_564 : i32 to index
          %swap3A_631 = arith.constant 48 : index
          %swap3A_632 = tpu.vector_load %arg13[%swap3A_630, %swap3A_631] {strides = array<i32>} : memref<1536x64xf32, #tpu.memory_space<vmem>>, vector<1x16xf32>,
          %swap3A_633 = vector.shape_cast %swap3A_632 : vector<1x16xf32> to vector<16xf32>
          %swap3A_634 = vector.shape_cast %add3A_629 : vector<16xf32> to vector<1x16xf32>
          tpu.vector_store %arg13[%swap3A_630, %swap3A_631], %swap3A_634 {strides = array<i32>} : memref<1536x64xf32, #tpu.memory_space<vmem>>, vector<1x16xf32>,
          %slice3A_635 = vector.extract_strided_slice %get3A_127 {offsets = [7], sizes = [1], strides = [1]} : vector<16xi32> to vector<1xi32>
          %squeeze3A_636 = vector.extract %slice3A_635[0] : i32 from vector<1xi32>
          %slice3A_637 = vector.extract_strided_slice %get3A_133 {offsets = [7], sizes = [1], strides = [1]} : vector<16xf32> to vector<1xf32>
          %squeeze3A_638 = vector.extract %slice3A_637[0] : f32 from vector<1xf32>
          %mul3A_639 = arith.constant 16 : i32
          %mul3A_640 = arith.muli %scan3A_121, %mul3A_639 : i32
          %add3A_641 = arith.constant 7 : i32
          %add3A_642 = arith.addi %mul3A_640, %add3A_641 : i32
          %get3A_643 = arith.index_cast %squeeze3A_636 : i32 to index
          %get3A_644 = arith.constant 0 : index
          %get3A_645 = tpu.vector_load %arg13[%get3A_643, %get3A_644] {strides = array<i32>} : memref<1536x64xf32, #tpu.memory_space<vmem>>, vector<1x16xf32>,
          %get3A_646 = vector.shape_cast %get3A_645 : vector<1x16xf32> to vector<16xf32>
          %get3A_647 = arith.index_cast %add3A_642 : i32 to index
          %get3A_648 = arith.constant 0 : index
          %get3A_649 = tpu.vector_load %arg12[%get3A_647, %get3A_648] {strides = array<i32>} : memref<128x64xf32, #tpu.memory_space<vmem>>, vector<1x16xf32>,
          %get3A_650 = vector.shape_cast %get3A_649 : vector<1x16xf32> to vector<16xf32>
          %mul3A_651 = vector.broadcast %squeeze3A_638 : f32 to vector<16xf32>
          %mul3A_652 = arith.mulf %get3A_650, %mul3A_651 : vector<16xf32>
          %add3A_653 = arith.addf %get3A_646, %mul3A_652 : vector<16xf32>
          %swap3A_654 = arith.index_cast %squeeze3A_636 : i32 to index
          %swap3A_655 = arith.constant 0 : index
          %swap3A_656 = tpu.vector_load %arg13[%swap3A_654, %swap3A_655] {strides = array<i32>} : memref<1536x64xf32, #tpu.memory_space<vmem>>, vector<1x16xf32>,
          %swap3A_657 = vector.shape_cast %swap3A_656 : vector<1x16xf32> to vector<16xf32>
          %swap3A_658 = vector.shape_cast %add3A_653 : vector<16xf32> to vector<1x16xf32>
          tpu.vector_store %arg13[%swap3A_654, %swap3A_655], %swap3A_658 {strides = array<i32>} : memref<1536x64xf32, #tpu.memory_space<vmem>>, vector<1x16xf32>,
          %get3A_659 = arith.index_cast %squeeze3A_636 : i32 to index
          %get3A_660 = arith.constant 16 : index
          %get3A_661 = tpu.vector_load %arg13[%get3A_659, %get3A_660] {strides = array<i32>} : memref<1536x64xf32, #tpu.memory_space<vmem>>, vector<1x16xf32>,
          %get3A_662 = vector.shape_cast %get3A_661 : vector<1x16xf32> to vector<16xf32>
          %get3A_663 = arith.index_cast %add3A_642 : i32 to index
          %get3A_664 = arith.constant 16 : index
          %get3A_665 = tpu.vector_load %arg12[%get3A_663, %get3A_664] {strides = array<i32>} : memref<128x64xf32, #tpu.memory_space<vmem>>, vector<1x16xf32>,
          %get3A_666 = vector.shape_cast %get3A_665 : vector<1x16xf32> to vector<16xf32>
          %mul3A_667 = vector.broadcast %squeeze3A_638 : f32 to vector<16xf32>
          %mul3A_668 = arith.mulf %get3A_666, %mul3A_667 : vector<16xf32>
          %add3A_669 = arith.addf %get3A_662, %mul3A_668 : vector<16xf32>
          %swap3A_670 = arith.index_cast %squeeze3A_636 : i32 to index
          %swap3A_671 = arith.constant 16 : index
          %swap3A_672 = tpu.vector_load %arg13[%swap3A_670, %swap3A_671] {strides = array<i32>} : memref<1536x64xf32, #tpu.memory_space<vmem>>, vector<1x16xf32>,
          %swap3A_673 = vector.shape_cast %swap3A_672 : vector<1x16xf32> to vector<16xf32>
          %swap3A_674 = vector.shape_cast %add3A_669 : vector<16xf32> to vector<1x16xf32>
          tpu.vector_store %arg13[%swap3A_670, %swap3A_671], %swap3A_674 {strides = array<i32>} : memref<1536x64xf32, #tpu.memory_space<vmem>>, vector<1x16xf32>,
          %get3A_675 = arith.index_cast %squeeze3A_636 : i32 to index
          %get3A_676 = arith.constant 32 : index
          %get3A_677 = tpu.vector_load %arg13[%get3A_675, %get3A_676] {strides = array<i32>} : memref<1536x64xf32, #tpu.memory_space<vmem>>, vector<1x16xf32>,
          %get3A_678 = vector.shape_cast %get3A_677 : vector<1x16xf32> to vector<16xf32>
          %get3A_679 = arith.index_cast %add3A_642 : i32 to index
          %get3A_680 = arith.constant 32 : index
          %get3A_681 = tpu.vector_load %arg12[%get3A_679, %get3A_680] {strides = array<i32>} : memref<128x64xf32, #tpu.memory_space<vmem>>, vector<1x16xf32>,
          %get3A_682 = vector.shape_cast %get3A_681 : vector<1x16xf32> to vector<16xf32>
          %mul3A_683 = vector.broadcast %squeeze3A_638 : f32 to vector<16xf32>
          %mul3A_684 = arith.mulf %get3A_682, %mul3A_683 : vector<16xf32>
          %add3A_685 = arith.addf %get3A_678, %mul3A_684 : vector<16xf32>
          %swap3A_686 = arith.index_cast %squeeze3A_636 : i32 to index
          %swap3A_687 = arith.constant 32 : index
          %swap3A_688 = tpu.vector_load %arg13[%swap3A_686, %swap3A_687] {strides = array<i32>} : memref<1536x64xf32, #tpu.memory_space<vmem>>, vector<1x16xf32>,
          %swap3A_689 = vector.shape_cast %swap3A_688 : vector<1x16xf32> to vector<16xf32>
          %swap3A_690 = vector.shape_cast %add3A_685 : vector<16xf32> to vector<1x16xf32>
          tpu.vector_store %arg13[%swap3A_686, %swap3A_687], %swap3A_690 {strides = array<i32>} : memref<1536x64xf32, #tpu.memory_space<vmem>>, vector<1x16xf32>,
          %get3A_691 = arith.index_cast %squeeze3A_636 : i32 to index
          %get3A_692 = arith.constant 48 : index
          %get3A_693 = tpu.vector_load %arg13[%get3A_691, %get3A_692] {strides = array<i32>} : memref<1536x64xf32, #tpu.memory_space<vmem>>, vector<1x16xf32>,
          %get3A_694 = vector.shape_cast %get3A_693 : vector<1x16xf32> to vector<16xf32>
          %get3A_695 = arith.index_cast %add3A_642 : i32 to index
          %get3A_696 = arith.constant 48 : index
          %get3A_697 = tpu.vector_load %arg12[%get3A_695, %get3A_696] {strides = array<i32>} : memref<128x64xf32, #tpu.memory_space<vmem>>, vector<1x16xf32>,
          %get3A_698 = vector.shape_cast %get3A_697 : vector<1x16xf32> to vector<16xf32>
          %mul3A_699 = vector.broadcast %squeeze3A_638 : f32 to vector<16xf32>
          %mul3A_700 = arith.mulf %get3A_698, %mul3A_699 : vector<16xf32>
          %add3A_701 = arith.addf %get3A_694, %mul3A_700 : vector<16xf32>
          %swap3A_702 = arith.index_cast %squeeze3A_636 : i32 to index
          %swap3A_703 = arith.constant 48 : index
          %swap3A_704 = tpu.vector_load %arg13[%swap3A_702, %swap3A_703] {strides = array<i32>} : memref<1536x64xf32, #tpu.memory_space<vmem>>, vector<1x16xf32>,
          %swap3A_705 = vector.shape_cast %swap3A_704 : vector<1x16xf32> to vector<16xf32>
          %swap3A_706 = vector.shape_cast %add3A_701 : vector<16xf32> to vector<1x16xf32>
          tpu.vector_store %arg13[%swap3A_702, %swap3A_703], %swap3A_706 {strides = array<i32>} : memref<1536x64xf32, #tpu.memory_space<vmem>>, vector<1x16xf32>,
          %slice3A_707 = vector.extract_strided_slice %get3A_127 {offsets = [8], sizes = [1], strides = [1]} : vector<16xi32> to vector<1xi32>
          %squeeze3A_708 = vector.extract %slice3A_707[0] : i32 from vector<1xi32>
          %slice3A_709 = vector.extract_strided_slice %get3A_133 {offsets = [8], sizes = [1], strides = [1]} : vector<16xf32> to vector<1xf32>
          %squeeze3A_710 = vector.extract %slice3A_709[0] : f32 from vector<1xf32>
          %mul3A_711 = arith.constant 16 : i32
          %mul3A_712 = arith.muli %scan3A_121, %mul3A_711 : i32
          %add3A_713 = arith.constant 8 : i32
          %add3A_714 = arith.addi %mul3A_712, %add3A_713 : i32
          %get3A_715 = arith.index_cast %squeeze3A_708 : i32 to index
          %get3A_716 = arith.constant 0 : index
          %get3A_717 = tpu.vector_load %arg13[%get3A_715, %get3A_716] {strides = array<i32>} : memref<1536x64xf32, #tpu.memory_space<vmem>>, vector<1x16xf32>,
          %get3A_718 = vector.shape_cast %get3A_717 : vector<1x16xf32> to vector<16xf32>
          %get3A_719 = arith.index_cast %add3A_714 : i32 to index
          %get3A_720 = arith.constant 0 : index
          %get3A_721 = tpu.vector_load %arg12[%get3A_719, %get3A_720] {strides = array<i32>} : memref<128x64xf32, #tpu.memory_space<vmem>>, vector<1x16xf32>,
          %get3A_722 = vector.shape_cast %get3A_721 : vector<1x16xf32> to vector<16xf32>
          %mul3A_723 = vector.broadcast %squeeze3A_710 : f32 to vector<16xf32>
          %mul3A_724 = arith.mulf %get3A_722, %mul3A_723 : vector<16xf32>
          %add3A_725 = arith.addf %get3A_718, %mul3A_724 : vector<16xf32>
          %swap3A_726 = arith.index_cast %squeeze3A_708 : i32 to index
          %swap3A_727 = arith.constant 0 : index
          %swap3A_728 = tpu.vector_load %arg13[%swap3A_726, %swap3A_727] {strides = array<i32>} : memref<1536x64xf32, #tpu.memory_space<vmem>>, vector<1x16xf32>,
          %swap3A_729 = vector.shape_cast %swap3A_728 : vector<1x16xf32> to vector<16xf32>
          %swap3A_730 = vector.shape_cast %add3A_725 : vector<16xf32> to vector<1x16xf32>
          tpu.vector_store %arg13[%swap3A_726, %swap3A_727], %swap3A_730 {strides = array<i32>} : memref<1536x64xf32, #tpu.memory_space<vmem>>, vector<1x16xf32>,
          %get3A_731 = arith.index_cast %squeeze3A_708 : i32 to index
          %get3A_732 = arith.constant 16 : index
          %get3A_733 = tpu.vector_load %arg13[%get3A_731, %get3A_732] {strides = array<i32>} : memref<1536x64xf32, #tpu.memory_space<vmem>>, vector<1x16xf32>,
          %get3A_734 = vector.shape_cast %get3A_733 : vector<1x16xf32> to vector<16xf32>
          %get3A_735 = arith.index_cast %add3A_714 : i32 to index
          %get3A_736 = arith.constant 16 : index
          %get3A_737 = tpu.vector_load %arg12[%get3A_735, %get3A_736] {strides = array<i32>} : memref<128x64xf32, #tpu.memory_space<vmem>>, vector<1x16xf32>,
          %get3A_738 = vector.shape_cast %get3A_737 : vector<1x16xf32> to vector<16xf32>
          %mul3A_739 = vector.broadcast %squeeze3A_710 : f32 to vector<16xf32>
          %mul3A_740 = arith.mulf %get3A_738, %mul3A_739 : vector<16xf32>
          %add3A_741 = arith.addf %get3A_734, %mul3A_740 : vector<16xf32>
          %swap3A_742 = arith.index_cast %squeeze3A_708 : i32 to index
          %swap3A_743 = arith.constant 16 : index
          %swap3A_744 = tpu.vector_load %arg13[%swap3A_742, %swap3A_743] {strides = array<i32>} : memref<1536x64xf32, #tpu.memory_space<vmem>>, vector<1x16xf32>,
          %swap3A_745 = vector.shape_cast %swap3A_744 : vector<1x16xf32> to vector<16xf32>
          %swap3A_746 = vector.shape_cast %add3A_741 : vector<16xf32> to vector<1x16xf32>
          tpu.vector_store %arg13[%swap3A_742, %swap3A_743], %swap3A_746 {strides = array<i32>} : memref<1536x64xf32, #tpu.memory_space<vmem>>, vector<1x16xf32>,
          %get3A_747 = arith.index_cast %squeeze3A_708 : i32 to index
          %get3A_748 = arith.constant 32 : index
          %get3A_749 = tpu.vector_load %arg13[%get3A_747, %get3A_748] {strides = array<i32>} : memref<1536x64xf32, #tpu.memory_space<vmem>>, vector<1x16xf32>,
          %get3A_750 = vector.shape_cast %get3A_749 : vector<1x16xf32> to vector<16xf32>
          %get3A_751 = arith.index_cast %add3A_714 : i32 to index
          %get3A_752 = arith.constant 32 : index
          %get3A_753 = tpu.vector_load %arg12[%get3A_751, %get3A_752] {strides = array<i32>} : memref<128x64xf32, #tpu.memory_space<vmem>>, vector<1x16xf32>,
          %get3A_754 = vector.shape_cast %get3A_753 : vector<1x16xf32> to vector<16xf32>
          %mul3A_755 = vector.broadcast %squeeze3A_710 : f32 to vector<16xf32>
          %mul3A_756 = arith.mulf %get3A_754, %mul3A_755 : vector<16xf32>
          %add3A_757 = arith.addf %get3A_750, %mul3A_756 : vector<16xf32>
          %swap3A_758 = arith.index_cast %squeeze3A_708 : i32 to index
          %swap3A_759 = arith.constant 32 : index
          %swap3A_760 = tpu.vector_load %arg13[%swap3A_758, %swap3A_759] {strides = array<i32>} : memref<1536x64xf32, #tpu.memory_space<vmem>>, vector<1x16xf32>,
          %swap3A_761 = vector.shape_cast %swap3A_760 : vector<1x16xf32> to vector<16xf32>
          %swap3A_762 = vector.shape_cast %add3A_757 : vector<16xf32> to vector<1x16xf32>
          tpu.vector_store %arg13[%swap3A_758, %swap3A_759], %swap3A_762 {strides = array<i32>} : memref<1536x64xf32, #tpu.memory_space<vmem>>, vector<1x16xf32>,
          %get3A_763 = arith.index_cast %squeeze3A_708 : i32 to index
          %get3A_764 = arith.constant 48 : index
          %get3A_765 = tpu.vector_load %arg13[%get3A_763, %get3A_764] {strides = array<i32>} : memref<1536x64xf32, #tpu.memory_space<vmem>>, vector<1x16xf32>,
          %get3A_766 = vector.shape_cast %get3A_765 : vector<1x16xf32> to vector<16xf32>
          %get3A_767 = arith.index_cast %add3A_714 : i32 to index
          %get3A_768 = arith.constant 48 : index
          %get3A_769 = tpu.vector_load %arg12[%get3A_767, %get3A_768] {strides = array<i32>} : memref<128x64xf32, #tpu.memory_space<vmem>>, vector<1x16xf32>,
          %get3A_770 = vector.shape_cast %get3A_769 : vector<1x16xf32> to vector<16xf32>
          %mul3A_771 = vector.broadcast %squeeze3A_710 : f32 to vector<16xf32>
          %mul3A_772 = arith.mulf %get3A_770, %mul3A_771 : vector<16xf32>
          %add3A_773 = arith.addf %get3A_766, %mul3A_772 : vector<16xf32>
          %swap3A_774 = arith.index_cast %squeeze3A_708 : i32 to index
          %swap3A_775 = arith.constant 48 : index
          %swap3A_776 = tpu.vector_load %arg13[%swap3A_774, %swap3A_775] {strides = array<i32>} : memref<1536x64xf32, #tpu.memory_space<vmem>>, vector<1x16xf32>,
          %swap3A_777 = vector.shape_cast %swap3A_776 : vector<1x16xf32> to vector<16xf32>
          %swap3A_778 = vector.shape_cast %add3A_773 : vector<16xf32> to vector<1x16xf32>
          tpu.vector_store %arg13[%swap3A_774, %swap3A_775], %swap3A_778 {strides = array<i32>} : memref<1536x64xf32, #tpu.memory_space<vmem>>, vector<1x16xf32>,
          %slice3A_779 = vector.extract_strided_slice %get3A_127 {offsets = [9], sizes = [1], strides = [1]} : vector<16xi32> to vector<1xi32>
          %squeeze3A_780 = vector.extract %slice3A_779[0] : i32 from vector<1xi32>
          %slice3A_781 = vector.extract_strided_slice %get3A_133 {offsets = [9], sizes = [1], strides = [1]} : vector<16xf32> to vector<1xf32>
          %squeeze3A_782 = vector.extract %slice3A_781[0] : f32 from vector<1xf32>
          %mul3A_783 = arith.constant 16 : i32
          %mul3A_784 = arith.muli %scan3A_121, %mul3A_783 : i32
          %add3A_785 = arith.constant 9 : i32
          %add3A_786 = arith.addi %mul3A_784, %add3A_785 : i32
          %get3A_787 = arith.index_cast %squeeze3A_780 : i32 to index
          %get3A_788 = arith.constant 0 : index
          %get3A_789 = tpu.vector_load %arg13[%get3A_787, %get3A_788] {strides = array<i32>} : memref<1536x64xf32, #tpu.memory_space<vmem>>, vector<1x16xf32>,
          %get3A_790 = vector.shape_cast %get3A_789 : vector<1x16xf32> to vector<16xf32>
          %get3A_791 = arith.index_cast %add3A_786 : i32 to index
          %get3A_792 = arith.constant 0 : index
          %get3A_793 = tpu.vector_load %arg12[%get3A_791, %get3A_792] {strides = array<i32>} : memref<128x64xf32, #tpu.memory_space<vmem>>, vector<1x16xf32>,
          %get3A_794 = vector.shape_cast %get3A_793 : vector<1x16xf32> to vector<16xf32>
          %mul3A_795 = vector.broadcast %squeeze3A_782 : f32 to vector<16xf32>
          %mul3A_796 = arith.mulf %get3A_794, %mul3A_795 : vector<16xf32>
          %add3A_797 = arith.addf %get3A_790, %mul3A_796 : vector<16xf32>
          %swap3A_798 = arith.index_cast %squeeze3A_780 : i32 to index
          %swap3A_799 = arith.constant 0 : index
          %swap3A_800 = tpu.vector_load %arg13[%swap3A_798, %swap3A_799] {strides = array<i32>} : memref<1536x64xf32, #tpu.memory_space<vmem>>, vector<1x16xf32>,
          %swap3A_801 = vector.shape_cast %swap3A_800 : vector<1x16xf32> to vector<16xf32>
          %swap3A_802 = vector.shape_cast %add3A_797 : vector<16xf32> to vector<1x16xf32>
          tpu.vector_store %arg13[%swap3A_798, %swap3A_799], %swap3A_802 {strides = array<i32>} : memref<1536x64xf32, #tpu.memory_space<vmem>>, vector<1x16xf32>,
          %get3A_803 = arith.index_cast %squeeze3A_780 : i32 to index
          %get3A_804 = arith.constant 16 : index
          %get3A_805 = tpu.vector_load %arg13[%get3A_803, %get3A_804] {strides = array<i32>} : memref<1536x64xf32, #tpu.memory_space<vmem>>, vector<1x16xf32>,
          %get3A_806 = vector.shape_cast %get3A_805 : vector<1x16xf32> to vector<16xf32>
          %get3A_807 = arith.index_cast %add3A_786 : i32 to index
          %get3A_808 = arith.constant 16 : index
          %get3A_809 = tpu.vector_load %arg12[%get3A_807, %get3A_808] {strides = array<i32>} : memref<128x64xf32, #tpu.memory_space<vmem>>, vector<1x16xf32>,
          %get3A_810 = vector.shape_cast %get3A_809 : vector<1x16xf32> to vector<16xf32>
          %mul3A_811 = vector.broadcast %squeeze3A_782 : f32 to vector<16xf32>
          %mul3A_812 = arith.mulf %get3A_810, %mul3A_811 : vector<16xf32>
          %add3A_813 = arith.addf %get3A_806, %mul3A_812 : vector<16xf32>
          %swap3A_814 = arith.index_cast %squeeze3A_780 : i32 to index
          %swap3A_815 = arith.constant 16 : index
          %swap3A_816 = tpu.vector_load %arg13[%swap3A_814, %swap3A_815] {strides = array<i32>} : memref<1536x64xf32, #tpu.memory_space<vmem>>, vector<1x16xf32>,
          %swap3A_817 = vector.shape_cast %swap3A_816 : vector<1x16xf32> to vector<16xf32>
          %swap3A_818 = vector.shape_cast %add3A_813 : vector<16xf32> to vector<1x16xf32>
          tpu.vector_store %arg13[%swap3A_814, %swap3A_815], %swap3A_818 {strides = array<i32>} : memref<1536x64xf32, #tpu.memory_space<vmem>>, vector<1x16xf32>,
          %get3A_819 = arith.index_cast %squeeze3A_780 : i32 to index
          %get3A_820 = arith.constant 32 : index
          %get3A_821 = tpu.vector_load %arg13[%get3A_819, %get3A_820] {strides = array<i32>} : memref<1536x64xf32, #tpu.memory_space<vmem>>, vector<1x16xf32>,
          %get3A_822 = vector.shape_cast %get3A_821 : vector<1x16xf32> to vector<16xf32>
          %get3A_823 = arith.index_cast %add3A_786 : i32 to index
          %get3A_824 = arith.constant 32 : index
          %get3A_825 = tpu.vector_load %arg12[%get3A_823, %get3A_824] {strides = array<i32>} : memref<128x64xf32, #tpu.memory_space<vmem>>, vector<1x16xf32>,
          %get3A_826 = vector.shape_cast %get3A_825 : vector<1x16xf32> to vector<16xf32>
          %mul3A_827 = vector.broadcast %squeeze3A_782 : f32 to vector<16xf32>
          %mul3A_828 = arith.mulf %get3A_826, %mul3A_827 : vector<16xf32>
          %add3A_829 = arith.addf %get3A_822, %mul3A_828 : vector<16xf32>
          %swap3A_830 = arith.index_cast %squeeze3A_780 : i32 to index
          %swap3A_831 = arith.constant 32 : index
          %swap3A_832 = tpu.vector_load %arg13[%swap3A_830, %swap3A_831] {strides = array<i32>} : memref<1536x64xf32, #tpu.memory_space<vmem>>, vector<1x16xf32>,
          %swap3A_833 = vector.shape_cast %swap3A_832 : vector<1x16xf32> to vector<16xf32>
          %swap3A_834 = vector.shape_cast %add3A_829 : vector<16xf32> to vector<1x16xf32>
          tpu.vector_store %arg13[%swap3A_830, %swap3A_831], %swap3A_834 {strides = array<i32>} : memref<1536x64xf32, #tpu.memory_space<vmem>>, vector<1x16xf32>,
          %get3A_835 = arith.index_cast %squeeze3A_780 : i32 to index
          %get3A_836 = arith.constant 48 : index
          %get3A_837 = tpu.vector_load %arg13[%get3A_835, %get3A_836] {strides = array<i32>} : memref<1536x64xf32, #tpu.memory_space<vmem>>, vector<1x16xf32>,
          %get3A_838 = vector.shape_cast %get3A_837 : vector<1x16xf32> to vector<16xf32>
          %get3A_839 = arith.index_cast %add3A_786 : i32 to index
          %get3A_840 = arith.constant 48 : index
          %get3A_841 = tpu.vector_load %arg12[%get3A_839, %get3A_840] {strides = array<i32>} : memref<128x64xf32, #tpu.memory_space<vmem>>, vector<1x16xf32>,
          %get3A_842 = vector.shape_cast %get3A_841 : vector<1x16xf32> to vector<16xf32>
          %mul3A_843 = vector.broadcast %squeeze3A_782 : f32 to vector<16xf32>
          %mul3A_844 = arith.mulf %get3A_842, %mul3A_843 : vector<16xf32>
          %add3A_845 = arith.addf %get3A_838, %mul3A_844 : vector<16xf32>
          %swap3A_846 = arith.index_cast %squeeze3A_780 : i32 to index
          %swap3A_847 = arith.constant 48 : index
          %swap3A_848 = tpu.vector_load %arg13[%swap3A_846, %swap3A_847] {strides = array<i32>} : memref<1536x64xf32, #tpu.memory_space<vmem>>, vector<1x16xf32>,
          %swap3A_849 = vector.shape_cast %swap3A_848 : vector<1x16xf32> to vector<16xf32>
          %swap3A_850 = vector.shape_cast %add3A_845 : vector<16xf32> to vector<1x16xf32>
          tpu.vector_store %arg13[%swap3A_846, %swap3A_847], %swap3A_850 {strides = array<i32>} : memref<1536x64xf32, #tpu.memory_space<vmem>>, vector<1x16xf32>,
          %slice3A_851 = vector.extract_strided_slice %get3A_127 {offsets = [10], sizes = [1], strides = [1]} : vector<16xi32> to vector<1xi32>
          %squeeze3A_852 = vector.extract %slice3A_851[0] : i32 from vector<1xi32>
          %slice3A_853 = vector.extract_strided_slice %get3A_133 {offsets = [10], sizes = [1], strides = [1]} : vector<16xf32> to vector<1xf32>
          %squeeze3A_854 = vector.extract %slice3A_853[0] : f32 from vector<1xf32>
          %mul3A_855 = arith.constant 16 : i32
          %mul3A_856 = arith.muli %scan3A_121, %mul3A_855 : i32
          %add3A_857 = arith.constant 10 : i32
          %add3A_858 = arith.addi %mul3A_856, %add3A_857 : i32
          %get3A_859 = arith.index_cast %squeeze3A_852 : i32 to index
          %get3A_860 = arith.constant 0 : index
          %get3A_861 = tpu.vector_load %arg13[%get3A_859, %get3A_860] {strides = array<i32>} : memref<1536x64xf32, #tpu.memory_space<vmem>>, vector<1x16xf32>,
          %get3A_862 = vector.shape_cast %get3A_861 : vector<1x16xf32> to vector<16xf32>
          %get3A_863 = arith.index_cast %add3A_858 : i32 to index
          %get3A_864 = arith.constant 0 : index
          %get3A_865 = tpu.vector_load %arg12[%get3A_863, %get3A_864] {strides = array<i32>} : memref<128x64xf32, #tpu.memory_space<vmem>>, vector<1x16xf32>,
          %get3A_866 = vector.shape_cast %get3A_865 : vector<1x16xf32> to vector<16xf32>
          %mul3A_867 = vector.broadcast %squeeze3A_854 : f32 to vector<16xf32>
          %mul3A_868 = arith.mulf %get3A_866, %mul3A_867 : vector<16xf32>
          %add3A_869 = arith.addf %get3A_862, %mul3A_868 : vector<16xf32>
          %swap3A_870 = arith.index_cast %squeeze3A_852 : i32 to index
          %swap3A_871 = arith.constant 0 : index
          %swap3A_872 = tpu.vector_load %arg13[%swap3A_870, %swap3A_871] {strides = array<i32>} : memref<1536x64xf32, #tpu.memory_space<vmem>>, vector<1x16xf32>,
          %swap3A_873 = vector.shape_cast %swap3A_872 : vector<1x16xf32> to vector<16xf32>
          %swap3A_874 = vector.shape_cast %add3A_869 : vector<16xf32> to vector<1x16xf32>
          tpu.vector_store %arg13[%swap3A_870, %swap3A_871], %swap3A_874 {strides = array<i32>} : memref<1536x64xf32, #tpu.memory_space<vmem>>, vector<1x16xf32>,
          %get3A_875 = arith.index_cast %squeeze3A_852 : i32 to index
          %get3A_876 = arith.constant 16 : index
          %get3A_877 = tpu.vector_load %arg13[%get3A_875, %get3A_876] {strides = array<i32>} : memref<1536x64xf32, #tpu.memory_space<vmem>>, vector<1x16xf32>,
          %get3A_878 = vector.shape_cast %get3A_877 : vector<1x16xf32> to vector<16xf32>
          %get3A_879 = arith.index_cast %add3A_858 : i32 to index
          %get3A_880 = arith.constant 16 : index
          %get3A_881 = tpu.vector_load %arg12[%get3A_879, %get3A_880] {strides = array<i32>} : memref<128x64xf32, #tpu.memory_space<vmem>>, vector<1x16xf32>,
          %get3A_882 = vector.shape_cast %get3A_881 : vector<1x16xf32> to vector<16xf32>
          %mul3A_883 = vector.broadcast %squeeze3A_854 : f32 to vector<16xf32>
          %mul3A_884 = arith.mulf %get3A_882, %mul3A_883 : vector<16xf32>
          %add3A_885 = arith.addf %get3A_878, %mul3A_884 : vector<16xf32>
          %swap3A_886 = arith.index_cast %squeeze3A_852 : i32 to index
          %swap3A_887 = arith.constant 16 : index
          %swap3A_888 = tpu.vector_load %arg13[%swap3A_886, %swap3A_887] {strides = array<i32>} : memref<1536x64xf32, #tpu.memory_space<vmem>>, vector<1x16xf32>,
          %swap3A_889 = vector.shape_cast %swap3A_888 : vector<1x16xf32> to vector<16xf32>
          %swap3A_890 = vector.shape_cast %add3A_885 : vector<16xf32> to vector<1x16xf32>
          tpu.vector_store %arg13[%swap3A_886, %swap3A_887], %swap3A_890 {strides = array<i32>} : memref<1536x64xf32, #tpu.memory_space<vmem>>, vector<1x16xf32>,
          %get3A_891 = arith.index_cast %squeeze3A_852 : i32 to index
          %get3A_892 = arith.constant 32 : index
          %get3A_893 = tpu.vector_load %arg13[%get3A_891, %get3A_892] {strides = array<i32>} : memref<1536x64xf32, #tpu.memory_space<vmem>>, vector<1x16xf32>,
          %get3A_894 = vector.shape_cast %get3A_893 : vector<1x16xf32> to vector<16xf32>
          %get3A_895 = arith.index_cast %add3A_858 : i32 to index
          %get3A_896 = arith.constant 32 : index
          %get3A_897 = tpu.vector_load %arg12[%get3A_895, %get3A_896] {strides = array<i32>} : memref<128x64xf32, #tpu.memory_space<vmem>>, vector<1x16xf32>,
          %get3A_898 = vector.shape_cast %get3A_897 : vector<1x16xf32> to vector<16xf32>
          %mul3A_899 = vector.broadcast %squeeze3A_854 : f32 to vector<16xf32>
          %mul3A_900 = arith.mulf %get3A_898, %mul3A_899 : vector<16xf32>
          %add3A_901 = arith.addf %get3A_894, %mul3A_900 : vector<16xf32>
          %swap3A_902 = arith.index_cast %squeeze3A_852 : i32 to index
          %swap3A_903 = arith.constant 32 : index
          %swap3A_904 = tpu.vector_load %arg13[%swap3A_902, %swap3A_903] {strides = array<i32>} : memref<1536x64xf32, #tpu.memory_space<vmem>>, vector<1x16xf32>,
          %swap3A_905 = vector.shape_cast %swap3A_904 : vector<1x16xf32> to vector<16xf32>
          %swap3A_906 = vector.shape_cast %add3A_901 : vector<16xf32> to vector<1x16xf32>
          tpu.vector_store %arg13[%swap3A_902, %swap3A_903], %swap3A_906 {strides = array<i32>} : memref<1536x64xf32, #tpu.memory_space<vmem>>, vector<1x16xf32>,
          %get3A_907 = arith.index_cast %squeeze3A_852 : i32 to index
          %get3A_908 = arith.constant 48 : index
          %get3A_909 = tpu.vector_load %arg13[%get3A_907, %get3A_908] {strides = array<i32>} : memref<1536x64xf32, #tpu.memory_space<vmem>>, vector<1x16xf32>,
          %get3A_910 = vector.shape_cast %get3A_909 : vector<1x16xf32> to vector<16xf32>
          %get3A_911 = arith.index_cast %add3A_858 : i32 to index
          %get3A_912 = arith.constant 48 : index
          %get3A_913 = tpu.vector_load %arg12[%get3A_911, %get3A_912] {strides = array<i32>} : memref<128x64xf32, #tpu.memory_space<vmem>>, vector<1x16xf32>,
          %get3A_914 = vector.shape_cast %get3A_913 : vector<1x16xf32> to vector<16xf32>
          %mul3A_915 = vector.broadcast %squeeze3A_854 : f32 to vector<16xf32>
          %mul3A_916 = arith.mulf %get3A_914, %mul3A_915 : vector<16xf32>
          %add3A_917 = arith.addf %get3A_910, %mul3A_916 : vector<16xf32>
          %swap3A_918 = arith.index_cast %squeeze3A_852 : i32 to index
          %swap3A_919 = arith.constant 48 : index
          %swap3A_920 = tpu.vector_load %arg13[%swap3A_918, %swap3A_919] {strides = array<i32>} : memref<1536x64xf32, #tpu.memory_space<vmem>>, vector<1x16xf32>,
          %swap3A_921 = vector.shape_cast %swap3A_920 : vector<1x16xf32> to vector<16xf32>
          %swap3A_922 = vector.shape_cast %add3A_917 : vector<16xf32> to vector<1x16xf32>
          tpu.vector_store %arg13[%swap3A_918, %swap3A_919], %swap3A_922 {strides = array<i32>} : memref<1536x64xf32, #tpu.memory_space<vmem>>, vector<1x16xf32>,
          %slice3A_923 = vector.extract_strided_slice %get3A_127 {offsets = [11], sizes = [1], strides = [1]} : vector<16xi32> to vector<1xi32>
          %squeeze3A_924 = vector.extract %slice3A_923[0] : i32 from vector<1xi32>
          %slice3A_925 = vector.extract_strided_slice %get3A_133 {offsets = [11], sizes = [1], strides = [1]} : vector<16xf32> to vector<1xf32>
          %squeeze3A_926 = vector.extract %slice3A_925[0] : f32 from vector<1xf32>
          %mul3A_927 = arith.constant 16 : i32
          %mul3A_928 = arith.muli %scan3A_121, %mul3A_927 : i32
          %add3A_929 = arith.constant 11 : i32
          %add3A_930 = arith.addi %mul3A_928, %add3A_929 : i32
          %get3A_931 = arith.index_cast %squeeze3A_924 : i32 to index
          %get3A_932 = arith.constant 0 : index
          %get3A_933 = tpu.vector_load %arg13[%get3A_931, %get3A_932] {strides = array<i32>} : memref<1536x64xf32, #tpu.memory_space<vmem>>, vector<1x16xf32>,
          %get3A_934 = vector.shape_cast %get3A_933 : vector<1x16xf32> to vector<16xf32>
          %get3A_935 = arith.index_cast %add3A_930 : i32 to index
          %get3A_936 = arith.constant 0 : index
          %get3A_937 = tpu.vector_load %arg12[%get3A_935, %get3A_936] {strides = array<i32>} : memref<128x64xf32, #tpu.memory_space<vmem>>, vector<1x16xf32>,
          %get3A_938 = vector.shape_cast %get3A_937 : vector<1x16xf32> to vector<16xf32>
          %mul3A_939 = vector.broadcast %squeeze3A_926 : f32 to vector<16xf32>
          %mul3A_940 = arith.mulf %get3A_938, %mul3A_939 : vector<16xf32>
          %add3A_941 = arith.addf %get3A_934, %mul3A_940 : vector<16xf32>
          %swap3A_942 = arith.index_cast %squeeze3A_924 : i32 to index
          %swap3A_943 = arith.constant 0 : index
          %swap3A_944 = tpu.vector_load %arg13[%swap3A_942, %swap3A_943] {strides = array<i32>} : memref<1536x64xf32, #tpu.memory_space<vmem>>, vector<1x16xf32>,
          %swap3A_945 = vector.shape_cast %swap3A_944 : vector<1x16xf32> to vector<16xf32>
          %swap3A_946 = vector.shape_cast %add3A_941 : vector<16xf32> to vector<1x16xf32>
          tpu.vector_store %arg13[%swap3A_942, %swap3A_943], %swap3A_946 {strides = array<i32>} : memref<1536x64xf32, #tpu.memory_space<vmem>>, vector<1x16xf32>,
          %get3A_947 = arith.index_cast %squeeze3A_924 : i32 to index
          %get3A_948 = arith.constant 16 : index
          %get3A_949 = tpu.vector_load %arg13[%get3A_947, %get3A_948] {strides = array<i32>} : memref<1536x64xf32, #tpu.memory_space<vmem>>, vector<1x16xf32>,
          %get3A_950 = vector.shape_cast %get3A_949 : vector<1x16xf32> to vector<16xf32>
          %get3A_951 = arith.index_cast %add3A_930 : i32 to index
          %get3A_952 = arith.constant 16 : index
          %get3A_953 = tpu.vector_load %arg12[%get3A_951, %get3A_952] {strides = array<i32>} : memref<128x64xf32, #tpu.memory_space<vmem>>, vector<1x16xf32>,
          %get3A_954 = vector.shape_cast %get3A_953 : vector<1x16xf32> to vector<16xf32>
          %mul3A_955 = vector.broadcast %squeeze3A_926 : f32 to vector<16xf32>
          %mul3A_956 = arith.mulf %get3A_954, %mul3A_955 : vector<16xf32>
          %add3A_957 = arith.addf %get3A_950, %mul3A_956 : vector<16xf32>
          %swap3A_958 = arith.index_cast %squeeze3A_924 : i32 to index
          %swap3A_959 = arith.constant 16 : index
          %swap3A_960 = tpu.vector_load %arg13[%swap3A_958, %swap3A_959] {strides = array<i32>} : memref<1536x64xf32, #tpu.memory_space<vmem>>, vector<1x16xf32>,
          %swap3A_961 = vector.shape_cast %swap3A_960 : vector<1x16xf32> to vector<16xf32>
          %swap3A_962 = vector.shape_cast %add3A_957 : vector<16xf32> to vector<1x16xf32>
          tpu.vector_store %arg13[%swap3A_958, %swap3A_959], %swap3A_962 {strides = array<i32>} : memref<1536x64xf32, #tpu.memory_space<vmem>>, vector<1x16xf32>,
          %get3A_963 = arith.index_cast %squeeze3A_924 : i32 to index
          %get3A_964 = arith.constant 32 : index
          %get3A_965 = tpu.vector_load %arg13[%get3A_963, %get3A_964] {strides = array<i32>} : memref<1536x64xf32, #tpu.memory_space<vmem>>, vector<1x16xf32>,
          %get3A_966 = vector.shape_cast %get3A_965 : vector<1x16xf32> to vector<16xf32>
          %get3A_967 = arith.index_cast %add3A_930 : i32 to index
          %get3A_968 = arith.constant 32 : index
          %get3A_969 = tpu.vector_load %arg12[%get3A_967, %get3A_968] {strides = array<i32>} : memref<128x64xf32, #tpu.memory_space<vmem>>, vector<1x16xf32>,
          %get3A_970 = vector.shape_cast %get3A_969 : vector<1x16xf32> to vector<16xf32>
          %mul3A_971 = vector.broadcast %squeeze3A_926 : f32 to vector<16xf32>
          %mul3A_972 = arith.mulf %get3A_970, %mul3A_971 : vector<16xf32>
          %add3A_973 = arith.addf %get3A_966, %mul3A_972 : vector<16xf32>
          %swap3A_974 = arith.index_cast %squeeze3A_924 : i32 to index
          %swap3A_975 = arith.constant 32 : index
          %swap3A_976 = tpu.vector_load %arg13[%swap3A_974, %swap3A_975] {strides = array<i32>} : memref<1536x64xf32, #tpu.memory_space<vmem>>, vector<1x16xf32>,
          %swap3A_977 = vector.shape_cast %swap3A_976 : vector<1x16xf32> to vector<16xf32>
          %swap3A_978 = vector.shape_cast %add3A_973 : vector<16xf32> to vector<1x16xf32>
          tpu.vector_store %arg13[%swap3A_974, %swap3A_975], %swap3A_978 {strides = array<i32>} : memref<1536x64xf32, #tpu.memory_space<vmem>>, vector<1x16xf32>,
          %get3A_979 = arith.index_cast %squeeze3A_924 : i32 to index
          %get3A_980 = arith.constant 48 : index
          %get3A_981 = tpu.vector_load %arg13[%get3A_979, %get3A_980] {strides = array<i32>} : memref<1536x64xf32, #tpu.memory_space<vmem>>, vector<1x16xf32>,
          %get3A_982 = vector.shape_cast %get3A_981 : vector<1x16xf32> to vector<16xf32>
          %get3A_983 = arith.index_cast %add3A_930 : i32 to index
          %get3A_984 = arith.constant 48 : index
          %get3A_985 = tpu.vector_load %arg12[%get3A_983, %get3A_984] {strides = array<i32>} : memref<128x64xf32, #tpu.memory_space<vmem>>, vector<1x16xf32>,
          %get3A_986 = vector.shape_cast %get3A_985 : vector<1x16xf32> to vector<16xf32>
          %mul3A_987 = vector.broadcast %squeeze3A_926 : f32 to vector<16xf32>
          %mul3A_988 = arith.mulf %get3A_986, %mul3A_987 : vector<16xf32>
          %add3A_989 = arith.addf %get3A_982, %mul3A_988 : vector<16xf32>
          %swap3A_990 = arith.index_cast %squeeze3A_924 : i32 to index
          %swap3A_991 = arith.constant 48 : index
          %swap3A_992 = tpu.vector_load %arg13[%swap3A_990, %swap3A_991] {strides = array<i32>} : memref<1536x64xf32, #tpu.memory_space<vmem>>, vector<1x16xf32>,
          %swap3A_993 = vector.shape_cast %swap3A_992 : vector<1x16xf32> to vector<16xf32>
          %swap3A_994 = vector.shape_cast %add3A_989 : vector<16xf32> to vector<1x16xf32>
          tpu.vector_store %arg13[%swap3A_990, %swap3A_991], %swap3A_994 {strides = array<i32>} : memref<1536x64xf32, #tpu.memory_space<vmem>>, vector<1x16xf32>,
          %slice3A_995 = vector.extract_strided_slice %get3A_127 {offsets = [12], sizes = [1], strides = [1]} : vector<16xi32> to vector<1xi32>
          %squeeze3A_996 = vector.extract %slice3A_995[0] : i32 from vector<1xi32>
          %slice3A_997 = vector.extract_strided_slice %get3A_133 {offsets = [12], sizes = [1], strides = [1]} : vector<16xf32> to vector<1xf32>
          %squeeze3A_998 = vector.extract %slice3A_997[0] : f32 from vector<1xf32>
          %mul3A_999 = arith.constant 16 : i32
          %mul3A_1000 = arith.muli %scan3A_121, %mul3A_999 : i32
          %add3A_1001 = arith.constant 12 : i32
          %add3A_1002 = arith.addi %mul3A_1000, %add3A_1001 : i32
          %get3A_1003 = arith.index_cast %squeeze3A_996 : i32 to index
          %get3A_1004 = arith.constant 0 : index
          %get3A_1005 = tpu.vector_load %arg13[%get3A_1003, %get3A_1004] {strides = array<i32>} : memref<1536x64xf32, #tpu.memory_space<vmem>>, vector<1x16xf32>,
          %get3A_1006 = vector.shape_cast %get3A_1005 : vector<1x16xf32> to vector<16xf32>
          %get3A_1007 = arith.index_cast %add3A_1002 : i32 to index
          %get3A_1008 = arith.constant 0 : index
          %get3A_1009 = tpu.vector_load %arg12[%get3A_1007, %get3A_1008] {strides = array<i32>} : memref<128x64xf32, #tpu.memory_space<vmem>>, vector<1x16xf32>,
          %get3A_1010 = vector.shape_cast %get3A_1009 : vector<1x16xf32> to vector<16xf32>
          %mul3A_1011 = vector.broadcast %squeeze3A_998 : f32 to vector<16xf32>
          %mul3A_1012 = arith.mulf %get3A_1010, %mul3A_1011 : vector<16xf32>
          %add3A_1013 = arith.addf %get3A_1006, %mul3A_1012 : vector<16xf32>
          %swap3A_1014 = arith.index_cast %squeeze3A_996 : i32 to index
          %swap3A_1015 = arith.constant 0 : index
          %swap3A_1016 = tpu.vector_load %arg13[%swap3A_1014, %swap3A_1015] {strides = array<i32>} : memref<1536x64xf32, #tpu.memory_space<vmem>>, vector<1x16xf32>,
          %swap3A_1017 = vector.shape_cast %swap3A_1016 : vector<1x16xf32> to vector<16xf32>
          %swap3A_1018 = vector.shape_cast %add3A_1013 : vector<16xf32> to vector<1x16xf32>
          tpu.vector_store %arg13[%swap3A_1014, %swap3A_1015], %swap3A_1018 {strides = array<i32>} : memref<1536x64xf32, #tpu.memory_space<vmem>>, vector<1x16xf32>,
          %get3A_1019 = arith.index_cast %squeeze3A_996 : i32 to index
          %get3A_1020 = arith.constant 16 : index
          %get3A_1021 = tpu.vector_load %arg13[%get3A_1019, %get3A_1020] {strides = array<i32>} : memref<1536x64xf32, #tpu.memory_space<vmem>>, vector<1x16xf32>,
          %get3A_1022 = vector.shape_cast %get3A_1021 : vector<1x16xf32> to vector<16xf32>
          %get3A_1023 = arith.index_cast %add3A_1002 : i32 to index
          %get3A_1024 = arith.constant 16 : index
          %get3A_1025 = tpu.vector_load %arg12[%get3A_1023, %get3A_1024] {strides = array<i32>} : memref<128x64xf32, #tpu.memory_space<vmem>>, vector<1x16xf32>,
          %get3A_1026 = vector.shape_cast %get3A_1025 : vector<1x16xf32> to vector<16xf32>
          %mul3A_1027 = vector.broadcast %squeeze3A_998 : f32 to vector<16xf32>
          %mul3A_1028 = arith.mulf %get3A_1026, %mul3A_1027 : vector<16xf32>
          %add3A_1029 = arith.addf %get3A_1022, %mul3A_1028 : vector<16xf32>
          %swap3A_1030 = arith.index_cast %squeeze3A_996 : i32 to index
          %swap3A_1031 = arith.constant 16 : index
          %swap3A_1032 = tpu.vector_load %arg13[%swap3A_1030, %swap3A_1031] {strides = array<i32>} : memref<1536x64xf32, #tpu.memory_space<vmem>>, vector<1x16xf32>,
          %swap3A_1033 = vector.shape_cast %swap3A_1032 : vector<1x16xf32> to vector<16xf32>
          %swap3A_1034 = vector.shape_cast %add3A_1029 : vector<16xf32> to vector<1x16xf32>
          tpu.vector_store %arg13[%swap3A_1030, %swap3A_1031], %swap3A_1034 {strides = array<i32>} : memref<1536x64xf32, #tpu.memory_space<vmem>>, vector<1x16xf32>,
          %get3A_1035 = arith.index_cast %squeeze3A_996 : i32 to index
          %get3A_1036 = arith.constant 32 : index
          %get3A_1037 = tpu.vector_load %arg13[%get3A_1035, %get3A_1036] {strides = array<i32>} : memref<1536x64xf32, #tpu.memory_space<vmem>>, vector<1x16xf32>,
          %get3A_1038 = vector.shape_cast %get3A_1037 : vector<1x16xf32> to vector<16xf32>
          %get3A_1039 = arith.index_cast %add3A_1002 : i32 to index
          %get3A_1040 = arith.constant 32 : index
          %get3A_1041 = tpu.vector_load %arg12[%get3A_1039, %get3A_1040] {strides = array<i32>} : memref<128x64xf32, #tpu.memory_space<vmem>>, vector<1x16xf32>,
          %get3A_1042 = vector.shape_cast %get3A_1041 : vector<1x16xf32> to vector<16xf32>
          %mul3A_1043 = vector.broadcast %squeeze3A_998 : f32 to vector<16xf32>
          %mul3A_1044 = arith.mulf %get3A_1042, %mul3A_1043 : vector<16xf32>
          %add3A_1045 = arith.addf %get3A_1038, %mul3A_1044 : vector<16xf32>
          %swap3A_1046 = arith.index_cast %squeeze3A_996 : i32 to index
          %swap3A_1047 = arith.constant 32 : index
          %swap3A_1048 = tpu.vector_load %arg13[%swap3A_1046, %swap3A_1047] {strides = array<i32>} : memref<1536x64xf32, #tpu.memory_space<vmem>>, vector<1x16xf32>,
          %swap3A_1049 = vector.shape_cast %swap3A_1048 : vector<1x16xf32> to vector<16xf32>
          %swap3A_1050 = vector.shape_cast %add3A_1045 : vector<16xf32> to vector<1x16xf32>
          tpu.vector_store %arg13[%swap3A_1046, %swap3A_1047], %swap3A_1050 {strides = array<i32>} : memref<1536x64xf32, #tpu.memory_space<vmem>>, vector<1x16xf32>,
          %get3A_1051 = arith.index_cast %squeeze3A_996 : i32 to index
          %get3A_1052 = arith.constant 48 : index
          %get3A_1053 = tpu.vector_load %arg13[%get3A_1051, %get3A_1052] {strides = array<i32>} : memref<1536x64xf32, #tpu.memory_space<vmem>>, vector<1x16xf32>,
          %get3A_1054 = vector.shape_cast %get3A_1053 : vector<1x16xf32> to vector<16xf32>
          %get3A_1055 = arith.index_cast %add3A_1002 : i32 to index
          %get3A_1056 = arith.constant 48 : index
          %get3A_1057 = tpu.vector_load %arg12[%get3A_1055, %get3A_1056] {strides = array<i32>} : memref<128x64xf32, #tpu.memory_space<vmem>>, vector<1x16xf32>,
          %get3A_1058 = vector.shape_cast %get3A_1057 : vector<1x16xf32> to vector<16xf32>
          %mul3A_1059 = vector.broadcast %squeeze3A_998 : f32 to vector<16xf32>
          %mul3A_1060 = arith.mulf %get3A_1058, %mul3A_1059 : vector<16xf32>
          %add3A_1061 = arith.addf %get3A_1054, %mul3A_1060 : vector<16xf32>
          %swap3A_1062 = arith.index_cast %squeeze3A_996 : i32 to index
          %swap3A_1063 = arith.constant 48 : index
          %swap3A_1064 = tpu.vector_load %arg13[%swap3A_1062, %swap3A_1063] {strides = array<i32>} : memref<1536x64xf32, #tpu.memory_space<vmem>>, vector<1x16xf32>,
          %swap3A_1065 = vector.shape_cast %swap3A_1064 : vector<1x16xf32> to vector<16xf32>
          %swap3A_1066 = vector.shape_cast %add3A_1061 : vector<16xf32> to vector<1x16xf32>
          tpu.vector_store %arg13[%swap3A_1062, %swap3A_1063], %swap3A_1066 {strides = array<i32>} : memref<1536x64xf32, #tpu.memory_space<vmem>>, vector<1x16xf32>,
          %slice3A_1067 = vector.extract_strided_slice %get3A_127 {offsets = [13], sizes = [1], strides = [1]} : vector<16xi32> to vector<1xi32>
          %squeeze3A_1068 = vector.extract %slice3A_1067[0] : i32 from vector<1xi32>
          %slice3A_1069 = vector.extract_strided_slice %get3A_133 {offsets = [13], sizes = [1], strides = [1]} : vector<16xf32> to vector<1xf32>
          %squeeze3A_1070 = vector.extract %slice3A_1069[0] : f32 from vector<1xf32>
          %mul3A_1071 = arith.constant 16 : i32
          %mul3A_1072 = arith.muli %scan3A_121, %mul3A_1071 : i32
          %add3A_1073 = arith.constant 13 : i32
          %add3A_1074 = arith.addi %mul3A_1072, %add3A_1073 : i32
          %get3A_1075 = arith.index_cast %squeeze3A_1068 : i32 to index
          %get3A_1076 = arith.constant 0 : index
          %get3A_1077 = tpu.vector_load %arg13[%get3A_1075, %get3A_1076] {strides = array<i32>} : memref<1536x64xf32, #tpu.memory_space<vmem>>, vector<1x16xf32>,
          %get3A_1078 = vector.shape_cast %get3A_1077 : vector<1x16xf32> to vector<16xf32>
          %get3A_1079 = arith.index_cast %add3A_1074 : i32 to index
          %get3A_1080 = arith.constant 0 : index
          %get3A_1081 = tpu.vector_load %arg12[%get3A_1079, %get3A_1080] {strides = array<i32>} : memref<128x64xf32, #tpu.memory_space<vmem>>, vector<1x16xf32>,
          %get3A_1082 = vector.shape_cast %get3A_1081 : vector<1x16xf32> to vector<16xf32>
          %mul3A_1083 = vector.broadcast %squeeze3A_1070 : f32 to vector<16xf32>
          %mul3A_1084 = arith.mulf %get3A_1082, %mul3A_1083 : vector<16xf32>
          %add3A_1085 = arith.addf %get3A_1078, %mul3A_1084 : vector<16xf32>
          %swap3A_1086 = arith.index_cast %squeeze3A_1068 : i32 to index
          %swap3A_1087 = arith.constant 0 : index
          %swap3A_1088 = tpu.vector_load %arg13[%swap3A_1086, %swap3A_1087] {strides = array<i32>} : memref<1536x64xf32, #tpu.memory_space<vmem>>, vector<1x16xf32>,
          %swap3A_1089 = vector.shape_cast %swap3A_1088 : vector<1x16xf32> to vector<16xf32>
          %swap3A_1090 = vector.shape_cast %add3A_1085 : vector<16xf32> to vector<1x16xf32>
          tpu.vector_store %arg13[%swap3A_1086, %swap3A_1087], %swap3A_1090 {strides = array<i32>} : memref<1536x64xf32, #tpu.memory_space<vmem>>, vector<1x16xf32>,
          %get3A_1091 = arith.index_cast %squeeze3A_1068 : i32 to index
          %get3A_1092 = arith.constant 16 : index
          %get3A_1093 = tpu.vector_load %arg13[%get3A_1091, %get3A_1092] {strides = array<i32>} : memref<1536x64xf32, #tpu.memory_space<vmem>>, vector<1x16xf32>,
          %get3A_1094 = vector.shape_cast %get3A_1093 : vector<1x16xf32> to vector<16xf32>
          %get3A_1095 = arith.index_cast %add3A_1074 : i32 to index
          %get3A_1096 = arith.constant 16 : index
          %get3A_1097 = tpu.vector_load %arg12[%get3A_1095, %get3A_1096] {strides = array<i32>} : memref<128x64xf32, #tpu.memory_space<vmem>>, vector<1x16xf32>,
          %get3A_1098 = vector.shape_cast %get3A_1097 : vector<1x16xf32> to vector<16xf32>
          %mul3A_1099 = vector.broadcast %squeeze3A_1070 : f32 to vector<16xf32>
          %mul3A_1100 = arith.mulf %get3A_1098, %mul3A_1099 : vector<16xf32>
          %add3A_1101 = arith.addf %get3A_1094, %mul3A_1100 : vector<16xf32>
          %swap3A_1102 = arith.index_cast %squeeze3A_1068 : i32 to index
          %swap3A_1103 = arith.constant 16 : index
          %swap3A_1104 = tpu.vector_load %arg13[%swap3A_1102, %swap3A_1103] {strides = array<i32>} : memref<1536x64xf32, #tpu.memory_space<vmem>>, vector<1x16xf32>,
          %swap3A_1105 = vector.shape_cast %swap3A_1104 : vector<1x16xf32> to vector<16xf32>
          %swap3A_1106 = vector.shape_cast %add3A_1101 : vector<16xf32> to vector<1x16xf32>
          tpu.vector_store %arg13[%swap3A_1102, %swap3A_1103], %swap3A_1106 {strides = array<i32>} : memref<1536x64xf32, #tpu.memory_space<vmem>>, vector<1x16xf32>,
          %get3A_1107 = arith.index_cast %squeeze3A_1068 : i32 to index
          %get3A_1108 = arith.constant 32 : index
          %get3A_1109 = tpu.vector_load %arg13[%get3A_1107, %get3A_1108] {strides = array<i32>} : memref<1536x64xf32, #tpu.memory_space<vmem>>, vector<1x16xf32>,
          %get3A_1110 = vector.shape_cast %get3A_1109 : vector<1x16xf32> to vector<16xf32>
          %get3A_1111 = arith.index_cast %add3A_1074 : i32 to index
          %get3A_1112 = arith.constant 32 : index
          %get3A_1113 = tpu.vector_load %arg12[%get3A_1111, %get3A_1112] {strides = array<i32>} : memref<128x64xf32, #tpu.memory_space<vmem>>, vector<1x16xf32>,
          %get3A_1114 = vector.shape_cast %get3A_1113 : vector<1x16xf32> to vector<16xf32>
          %mul3A_1115 = vector.broadcast %squeeze3A_1070 : f32 to vector<16xf32>
          %mul3A_1116 = arith.mulf %get3A_1114, %mul3A_1115 : vector<16xf32>
          %add3A_1117 = arith.addf %get3A_1110, %mul3A_1116 : vector<16xf32>
          %swap3A_1118 = arith.index_cast %squeeze3A_1068 : i32 to index
          %swap3A_1119 = arith.constant 32 : index
          %swap3A_1120 = tpu.vector_load %arg13[%swap3A_1118, %swap3A_1119] {strides = array<i32>} : memref<1536x64xf32, #tpu.memory_space<vmem>>, vector<1x16xf32>,
          %swap3A_1121 = vector.shape_cast %swap3A_1120 : vector<1x16xf32> to vector<16xf32>
          %swap3A_1122 = vector.shape_cast %add3A_1117 : vector<16xf32> to vector<1x16xf32>
          tpu.vector_store %arg13[%swap3A_1118, %swap3A_1119], %swap3A_1122 {strides = array<i32>} : memref<1536x64xf32, #tpu.memory_space<vmem>>, vector<1x16xf32>,
          %get3A_1123 = arith.index_cast %squeeze3A_1068 : i32 to index
          %get3A_1124 = arith.constant 48 : index
          %get3A_1125 = tpu.vector_load %arg13[%get3A_1123, %get3A_1124] {strides = array<i32>} : memref<1536x64xf32, #tpu.memory_space<vmem>>, vector<1x16xf32>,
          %get3A_1126 = vector.shape_cast %get3A_1125 : vector<1x16xf32> to vector<16xf32>
          %get3A_1127 = arith.index_cast %add3A_1074 : i32 to index
          %get3A_1128 = arith.constant 48 : index
          %get3A_1129 = tpu.vector_load %arg12[%get3A_1127, %get3A_1128] {strides = array<i32>} : memref<128x64xf32, #tpu.memory_space<vmem>>, vector<1x16xf32>,
          %get3A_1130 = vector.shape_cast %get3A_1129 : vector<1x16xf32> to vector<16xf32>
          %mul3A_1131 = vector.broadcast %squeeze3A_1070 : f32 to vector<16xf32>
          %mul3A_1132 = arith.mulf %get3A_1130, %mul3A_1131 : vector<16xf32>
          %add3A_1133 = arith.addf %get3A_1126, %mul3A_1132 : vector<16xf32>
          %swap3A_1134 = arith.index_cast %squeeze3A_1068 : i32 to index
          %swap3A_1135 = arith.constant 48 : index
          %swap3A_1136 = tpu.vector_load %arg13[%swap3A_1134, %swap3A_1135] {strides = array<i32>} : memref<1536x64xf32, #tpu.memory_space<vmem>>, vector<1x16xf32>,
          %swap3A_1137 = vector.shape_cast %swap3A_1136 : vector<1x16xf32> to vector<16xf32>
          %swap3A_1138 = vector.shape_cast %add3A_1133 : vector<16xf32> to vector<1x16xf32>
          tpu.vector_store %arg13[%swap3A_1134, %swap3A_1135], %swap3A_1138 {strides = array<i32>} : memref<1536x64xf32, #tpu.memory_space<vmem>>, vector<1x16xf32>,
          %slice3A_1139 = vector.extract_strided_slice %get3A_127 {offsets = [14], sizes = [1], strides = [1]} : vector<16xi32> to vector<1xi32>
          %squeeze3A_1140 = vector.extract %slice3A_1139[0] : i32 from vector<1xi32>
          %slice3A_1141 = vector.extract_strided_slice %get3A_133 {offsets = [14], sizes = [1], strides = [1]} : vector<16xf32> to vector<1xf32>
          %squeeze3A_1142 = vector.extract %slice3A_1141[0] : f32 from vector<1xf32>
          %mul3A_1143 = arith.constant 16 : i32
          %mul3A_1144 = arith.muli %scan3A_121, %mul3A_1143 : i32
          %add3A_1145 = arith.constant 14 : i32
          %add3A_1146 = arith.addi %mul3A_1144, %add3A_1145 : i32
          %get3A_1147 = arith.index_cast %squeeze3A_1140 : i32 to index
          %get3A_1148 = arith.constant 0 : index
          %get3A_1149 = tpu.vector_load %arg13[%get3A_1147, %get3A_1148] {strides = array<i32>} : memref<1536x64xf32, #tpu.memory_space<vmem>>, vector<1x16xf32>,
          %get3A_1150 = vector.shape_cast %get3A_1149 : vector<1x16xf32> to vector<16xf32>
          %get3A_1151 = arith.index_cast %add3A_1146 : i32 to index
          %get3A_1152 = arith.constant 0 : index
          %get3A_1153 = tpu.vector_load %arg12[%get3A_1151, %get3A_1152] {strides = array<i32>} : memref<128x64xf32, #tpu.memory_space<vmem>>, vector<1x16xf32>,
          %get3A_1154 = vector.shape_cast %get3A_1153 : vector<1x16xf32> to vector<16xf32>
          %mul3A_1155 = vector.broadcast %squeeze3A_1142 : f32 to vector<16xf32>
          %mul3A_1156 = arith.mulf %get3A_1154, %mul3A_1155 : vector<16xf32>
          %add3A_1157 = arith.addf %get3A_1150, %mul3A_1156 : vector<16xf32>
          %swap3A_1158 = arith.index_cast %squeeze3A_1140 : i32 to index
          %swap3A_1159 = arith.constant 0 : index
          %swap3A_1160 = tpu.vector_load %arg13[%swap3A_1158, %swap3A_1159] {strides = array<i32>} : memref<1536x64xf32, #tpu.memory_space<vmem>>, vector<1x16xf32>,
          %swap3A_1161 = vector.shape_cast %swap3A_1160 : vector<1x16xf32> to vector<16xf32>
          %swap3A_1162 = vector.shape_cast %add3A_1157 : vector<16xf32> to vector<1x16xf32>
          tpu.vector_store %arg13[%swap3A_1158, %swap3A_1159], %swap3A_1162 {strides = array<i32>} : memref<1536x64xf32, #tpu.memory_space<vmem>>, vector<1x16xf32>,
          %get3A_1163 = arith.index_cast %squeeze3A_1140 : i32 to index
          %get3A_1164 = arith.constant 16 : index
          %get3A_1165 = tpu.vector_load %arg13[%get3A_1163, %get3A_1164] {strides = array<i32>} : memref<1536x64xf32, #tpu.memory_space<vmem>>, vector<1x16xf32>,
          %get3A_1166 = vector.shape_cast %get3A_1165 : vector<1x16xf32> to vector<16xf32>
          %get3A_1167 = arith.index_cast %add3A_1146 : i32 to index
          %get3A_1168 = arith.constant 16 : index
          %get3A_1169 = tpu.vector_load %arg12[%get3A_1167, %get3A_1168] {strides = array<i32>} : memref<128x64xf32, #tpu.memory_space<vmem>>, vector<1x16xf32>,
          %get3A_1170 = vector.shape_cast %get3A_1169 : vector<1x16xf32> to vector<16xf32>
          %mul3A_1171 = vector.broadcast %squeeze3A_1142 : f32 to vector<16xf32>
          %mul3A_1172 = arith.mulf %get3A_1170, %mul3A_1171 : vector<16xf32>
          %add3A_1173 = arith.addf %get3A_1166, %mul3A_1172 : vector<16xf32>
          %swap3A_1174 = arith.index_cast %squeeze3A_1140 : i32 to index
          %swap3A_1175 = arith.constant 16 : index
          %swap3A_1176 = tpu.vector_load %arg13[%swap3A_1174, %swap3A_1175] {strides = array<i32>} : memref<1536x64xf32, #tpu.memory_space<vmem>>, vector<1x16xf32>,
          %swap3A_1177 = vector.shape_cast %swap3A_1176 : vector<1x16xf32> to vector<16xf32>
          %swap3A_1178 = vector.shape_cast %add3A_1173 : vector<16xf32> to vector<1x16xf32>
          tpu.vector_store %arg13[%swap3A_1174, %swap3A_1175], %swap3A_1178 {strides = array<i32>} : memref<1536x64xf32, #tpu.memory_space<vmem>>, vector<1x16xf32>,
          %get3A_1179 = arith.index_cast %squeeze3A_1140 : i32 to index
          %get3A_1180 = arith.constant 32 : index
          %get3A_1181 = tpu.vector_load %arg13[%get3A_1179, %get3A_1180] {strides = array<i32>} : memref<1536x64xf32, #tpu.memory_space<vmem>>, vector<1x16xf32>,
          %get3A_1182 = vector.shape_cast %get3A_1181 : vector<1x16xf32> to vector<16xf32>
          %get3A_1183 = arith.index_cast %add3A_1146 : i32 to index
          %get3A_1184 = arith.constant 32 : index
          %get3A_1185 = tpu.vector_load %arg12[%get3A_1183, %get3A_1184] {strides = array<i32>} : memref<128x64xf32, #tpu.memory_space<vmem>>, vector<1x16xf32>,
          %get3A_1186 = vector.shape_cast %get3A_1185 : vector<1x16xf32> to vector<16xf32>
          %mul3A_1187 = vector.broadcast %squeeze3A_1142 : f32 to vector<16xf32>
          %mul3A_1188 = arith.mulf %get3A_1186, %mul3A_1187 : vector<16xf32>
          %add3A_1189 = arith.addf %get3A_1182, %mul3A_1188 : vector<16xf32>
          %swap3A_1190 = arith.index_cast %squeeze3A_1140 : i32 to index
          %swap3A_1191 = arith.constant 32 : index
          %swap3A_1192 = tpu.vector_load %arg13[%swap3A_1190, %swap3A_1191] {strides = array<i32>} : memref<1536x64xf32, #tpu.memory_space<vmem>>, vector<1x16xf32>,
          %swap3A_1193 = vector.shape_cast %swap3A_1192 : vector<1x16xf32> to vector<16xf32>
          %swap3A_1194 = vector.shape_cast %add3A_1189 : vector<16xf32> to vector<1x16xf32>
          tpu.vector_store %arg13[%swap3A_1190, %swap3A_1191], %swap3A_1194 {strides = array<i32>} : memref<1536x64xf32, #tpu.memory_space<vmem>>, vector<1x16xf32>,
          %get3A_1195 = arith.index_cast %squeeze3A_1140 : i32 to index
          %get3A_1196 = arith.constant 48 : index
          %get3A_1197 = tpu.vector_load %arg13[%get3A_1195, %get3A_1196] {strides = array<i32>} : memref<1536x64xf32, #tpu.memory_space<vmem>>, vector<1x16xf32>,
          %get3A_1198 = vector.shape_cast %get3A_1197 : vector<1x16xf32> to vector<16xf32>
          %get3A_1199 = arith.index_cast %add3A_1146 : i32 to index
          %get3A_1200 = arith.constant 48 : index
          %get3A_1201 = tpu.vector_load %arg12[%get3A_1199, %get3A_1200] {strides = array<i32>} : memref<128x64xf32, #tpu.memory_space<vmem>>, vector<1x16xf32>,
          %get3A_1202 = vector.shape_cast %get3A_1201 : vector<1x16xf32> to vector<16xf32>
          %mul3A_1203 = vector.broadcast %squeeze3A_1142 : f32 to vector<16xf32>
          %mul3A_1204 = arith.mulf %get3A_1202, %mul3A_1203 : vector<16xf32>
          %add3A_1205 = arith.addf %get3A_1198, %mul3A_1204 : vector<16xf32>
          %swap3A_1206 = arith.index_cast %squeeze3A_1140 : i32 to index
          %swap3A_1207 = arith.constant 48 : index
          %swap3A_1208 = tpu.vector_load %arg13[%swap3A_1206, %swap3A_1207] {strides = array<i32>} : memref<1536x64xf32, #tpu.memory_space<vmem>>, vector<1x16xf32>,
          %swap3A_1209 = vector.shape_cast %swap3A_1208 : vector<1x16xf32> to vector<16xf32>
          %swap3A_1210 = vector.shape_cast %add3A_1205 : vector<16xf32> to vector<1x16xf32>
          tpu.vector_store %arg13[%swap3A_1206, %swap3A_1207], %swap3A_1210 {strides = array<i32>} : memref<1536x64xf32, #tpu.memory_space<vmem>>, vector<1x16xf32>,
          %slice3A_1211 = vector.extract_strided_slice %get3A_127 {offsets = [15], sizes = [1], strides = [1]} : vector<16xi32> to vector<1xi32>
          %squeeze3A_1212 = vector.extract %slice3A_1211[0] : i32 from vector<1xi32>
          %slice3A_1213 = vector.extract_strided_slice %get3A_133 {offsets = [15], sizes = [1], strides = [1]} : vector<16xf32> to vector<1xf32>
          %squeeze3A_1214 = vector.extract %slice3A_1213[0] : f32 from vector<1xf32>
          %mul3A_1215 = arith.constant 16 : i32
          %mul3A_1216 = arith.muli %scan3A_121, %mul3A_1215 : i32
          %add3A_1217 = arith.constant 15 : i32
          %add3A_1218 = arith.addi %mul3A_1216, %add3A_1217 : i32
          %get3A_1219 = arith.index_cast %squeeze3A_1212 : i32 to index
          %get3A_1220 = arith.constant 0 : index
          %get3A_1221 = tpu.vector_load %arg13[%get3A_1219, %get3A_1220] {strides = array<i32>} : memref<1536x64xf32, #tpu.memory_space<vmem>>, vector<1x16xf32>,
          %get3A_1222 = vector.shape_cast %get3A_1221 : vector<1x16xf32> to vector<16xf32>
          %get3A_1223 = arith.index_cast %add3A_1218 : i32 to index
          %get3A_1224 = arith.constant 0 : index
          %get3A_1225 = tpu.vector_load %arg12[%get3A_1223, %get3A_1224] {strides = array<i32>} : memref<128x64xf32, #tpu.memory_space<vmem>>, vector<1x16xf32>,
          %get3A_1226 = vector.shape_cast %get3A_1225 : vector<1x16xf32> to vector<16xf32>
          %mul3A_1227 = vector.broadcast %squeeze3A_1214 : f32 to vector<16xf32>
          %mul3A_1228 = arith.mulf %get3A_1226, %mul3A_1227 : vector<16xf32>
          %add3A_1229 = arith.addf %get3A_1222, %mul3A_1228 : vector<16xf32>
          %swap3A_1230 = arith.index_cast %squeeze3A_1212 : i32 to index
          %swap3A_1231 = arith.constant 0 : index
          %swap3A_1232 = tpu.vector_load %arg13[%swap3A_1230, %swap3A_1231] {strides = array<i32>} : memref<1536x64xf32, #tpu.memory_space<vmem>>, vector<1x16xf32>,
          %swap3A_1233 = vector.shape_cast %swap3A_1232 : vector<1x16xf32> to vector<16xf32>
          %swap3A_1234 = vector.shape_cast %add3A_1229 : vector<16xf32> to vector<1x16xf32>
          tpu.vector_store %arg13[%swap3A_1230, %swap3A_1231], %swap3A_1234 {strides = array<i32>} : memref<1536x64xf32, #tpu.memory_space<vmem>>, vector<1x16xf32>,
          %get3A_1235 = arith.index_cast %squeeze3A_1212 : i32 to index
          %get3A_1236 = arith.constant 16 : index
          %get3A_1237 = tpu.vector_load %arg13[%get3A_1235, %get3A_1236] {strides = array<i32>} : memref<1536x64xf32, #tpu.memory_space<vmem>>, vector<1x16xf32>,
          %get3A_1238 = vector.shape_cast %get3A_1237 : vector<1x16xf32> to vector<16xf32>
          %get3A_1239 = arith.index_cast %add3A_1218 : i32 to index
          %get3A_1240 = arith.constant 16 : index
          %get3A_1241 = tpu.vector_load %arg12[%get3A_1239, %get3A_1240] {strides = array<i32>} : memref<128x64xf32, #tpu.memory_space<vmem>>, vector<1x16xf32>,
          %get3A_1242 = vector.shape_cast %get3A_1241 : vector<1x16xf32> to vector<16xf32>
          %mul3A_1243 = vector.broadcast %squeeze3A_1214 : f32 to vector<16xf32>
          %mul3A_1244 = arith.mulf %get3A_1242, %mul3A_1243 : vector<16xf32>
          %add3A_1245 = arith.addf %get3A_1238, %mul3A_1244 : vector<16xf32>
          %swap3A_1246 = arith.index_cast %squeeze3A_1212 : i32 to index
          %swap3A_1247 = arith.constant 16 : index
          %swap3A_1248 = tpu.vector_load %arg13[%swap3A_1246, %swap3A_1247] {strides = array<i32>} : memref<1536x64xf32, #tpu.memory_space<vmem>>, vector<1x16xf32>,
          %swap3A_1249 = vector.shape_cast %swap3A_1248 : vector<1x16xf32> to vector<16xf32>
          %swap3A_1250 = vector.shape_cast %add3A_1245 : vector<16xf32> to vector<1x16xf32>
          tpu.vector_store %arg13[%swap3A_1246, %swap3A_1247], %swap3A_1250 {strides = array<i32>} : memref<1536x64xf32, #tpu.memory_space<vmem>>, vector<1x16xf32>,
          %get3A_1251 = arith.index_cast %squeeze3A_1212 : i32 to index
          %get3A_1252 = arith.constant 32 : index
          %get3A_1253 = tpu.vector_load %arg13[%get3A_1251, %get3A_1252] {strides = array<i32>} : memref<1536x64xf32, #tpu.memory_space<vmem>>, vector<1x16xf32>,
          %get3A_1254 = vector.shape_cast %get3A_1253 : vector<1x16xf32> to vector<16xf32>
          %get3A_1255 = arith.index_cast %add3A_1218 : i32 to index
          %get3A_1256 = arith.constant 32 : index
          %get3A_1257 = tpu.vector_load %arg12[%get3A_1255, %get3A_1256] {strides = array<i32>} : memref<128x64xf32, #tpu.memory_space<vmem>>, vector<1x16xf32>,
          %get3A_1258 = vector.shape_cast %get3A_1257 : vector<1x16xf32> to vector<16xf32>
          %mul3A_1259 = vector.broadcast %squeeze3A_1214 : f32 to vector<16xf32>
          %mul3A_1260 = arith.mulf %get3A_1258, %mul3A_1259 : vector<16xf32>
          %add3A_1261 = arith.addf %get3A_1254, %mul3A_1260 : vector<16xf32>
          %swap3A_1262 = arith.index_cast %squeeze3A_1212 : i32 to index
          %swap3A_1263 = arith.constant 32 : index
          %swap3A_1264 = tpu.vector_load %arg13[%swap3A_1262, %swap3A_1263] {strides = array<i32>} : memref<1536x64xf32, #tpu.memory_space<vmem>>, vector<1x16xf32>,
          %swap3A_1265 = vector.shape_cast %swap3A_1264 : vector<1x16xf32> to vector<16xf32>
          %swap3A_1266 = vector.shape_cast %add3A_1261 : vector<16xf32> to vector<1x16xf32>
          tpu.vector_store %arg13[%swap3A_1262, %swap3A_1263], %swap3A_1266 {strides = array<i32>} : memref<1536x64xf32, #tpu.memory_space<vmem>>, vector<1x16xf32>,
          %get3A_1267 = arith.index_cast %squeeze3A_1212 : i32 to index
          %get3A_1268 = arith.constant 48 : index
          %get3A_1269 = tpu.vector_load %arg13[%get3A_1267, %get3A_1268] {strides = array<i32>} : memref<1536x64xf32, #tpu.memory_space<vmem>>, vector<1x16xf32>,
          %get3A_1270 = vector.shape_cast %get3A_1269 : vector<1x16xf32> to vector<16xf32>
          %get3A_1271 = arith.index_cast %add3A_1218 : i32 to index
          %get3A_1272 = arith.constant 48 : index
          %get3A_1273 = tpu.vector_load %arg12[%get3A_1271, %get3A_1272] {strides = array<i32>} : memref<128x64xf32, #tpu.memory_space<vmem>>, vector<1x16xf32>,
          %get3A_1274 = vector.shape_cast %get3A_1273 : vector<1x16xf32> to vector<16xf32>
          %mul3A_1275 = vector.broadcast %squeeze3A_1214 : f32 to vector<16xf32>
          %mul3A_1276 = arith.mulf %get3A_1274, %mul3A_1275 : vector<16xf32>
          %add3A_1277 = arith.addf %get3A_1270, %mul3A_1276 : vector<16xf32>
          %swap3A_1278 = arith.index_cast %squeeze3A_1212 : i32 to index
          %swap3A_1279 = arith.constant 48 : index
          %swap3A_1280 = tpu.vector_load %arg13[%swap3A_1278, %swap3A_1279] {strides = array<i32>} : memref<1536x64xf32, #tpu.memory_space<vmem>>, vector<1x16xf32>,
          %swap3A_1281 = vector.shape_cast %swap3A_1280 : vector<1x16xf32> to vector<16xf32>
          %swap3A_1282 = vector.shape_cast %add3A_1277 : vector<16xf32> to vector<1x16xf32>
          tpu.vector_store %arg13[%swap3A_1278, %swap3A_1279], %swap3A_1282 {strides = array<i32>} : memref<1536x64xf32, #tpu.memory_space<vmem>>, vector<1x16xf32>,
          %scan3A_1283 = arith.constant 0 : i32
          scf.yield %scan3A_1283 : i32
        }
        %scan3A_119 = arith.constant 8 : i32
        %scan3A_120 = arith.constant 0 : i32
        scf.yield %scan3A_120 : i32
      }
      %scan3A_99 = arith.constant 8 : i32
      %scan3A_100 = arith.constant 0 : i32
      scf.yield %scan3A_100 : i32
    }
    %scan3A_45 = arith.constant 25 : i32
    %mul3A_46 = arith.constant 16 : i32
    %mul3A_47 = arith.muli %arg0, %mul3A_46 : i32
    %add3A_48 = arith.addi %mul3A_47, %arg1 : i32
    "tpu.region"() ({
      %run_scoped3A = tpu.sem_alloc : memref<!tpu.dma_semaphore, #tpu.memory_space<semaphore_mem>>
      %dma_start3A = arith.constant 0 : i32
      %dma_start3A_79 = arith.constant 0 : i32
      %dma_start3A_80 = tpu.memref_slice %arg7[%add3A_48, %dma_start3A, %dma_start3A_79] : memref<32x1536x64xf32, #tpu.memory_space<hbm>> -> memref<1x1536x64xf32, #tpu.memory_space<hbm>>
      %dma_start3A_81 = tpu.memref_squeeze %dma_start3A_80 : memref<1x1536x64xf32, #tpu.memory_space<hbm>> -> memref<1536x64xf32, #tpu.memory_space<hbm>>
      %dma_start3A_82 = arith.constant 0 : i32
      %dma_start3A_83 = arith.constant 0 : i32
      %dma_start3A_84 = tpu.memref_slice %arg7[%add3A_48, %dma_start3A_82, %dma_start3A_83] : memref<32x1536x64xf32, #tpu.memory_space<hbm>> -> memref<1x1536x64xf32, #tpu.memory_space<hbm>>
      %dma_start3A_85 = tpu.memref_squeeze %dma_start3A_84 : memref<1x1536x64xf32, #tpu.memory_space<hbm>> -> memref<1536x64xf32, #tpu.memory_space<hbm>>
      tpu.enqueue_dma source(%arg13 : memref<1536x64xf32, #tpu.memory_space<vmem>>) target(%dma_start3A_85 : memref<1536x64xf32, #tpu.memory_space<hbm>>) target_semaphore(%run_scoped3A : memref<!tpu.dma_semaphore, #tpu.memory_space<semaphore_mem>>)
      %dma_wait3A = arith.constant 0 : i32
      %dma_wait3A_86 = arith.constant 0 : i32
      %dma_wait3A_87 = tpu.memref_slice %arg7[%add3A_48, %dma_wait3A, %dma_wait3A_86] : memref<32x1536x64xf32, #tpu.memory_space<hbm>> -> memref<1x1536x64xf32, #tpu.memory_space<hbm>>
      %dma_wait3A_88 = tpu.memref_squeeze %dma_wait3A_87 : memref<1x1536x64xf32, #tpu.memory_space<hbm>> -> memref<1536x64xf32, #tpu.memory_space<hbm>>
      %dma_wait3A_89 = arith.constant 0 : i32
      %dma_wait3A_90 = arith.constant 0 : i32
      %dma_wait3A_91 = tpu.memref_slice %arg7[%add3A_48, %dma_wait3A_89, %dma_wait3A_90] : memref<32x1536x64xf32, #tpu.memory_space<hbm>> -> memref<1x1536x64xf32, #tpu.memory_space<hbm>>
      %dma_wait3A_92 = tpu.memref_squeeze %dma_wait3A_91 : memref<1x1536x64xf32, #tpu.memory_space<hbm>> -> memref<1536x64xf32, #tpu.memory_space<hbm>>
      tpu.wait_dma2 semaphore(%run_scoped3A : memref<!tpu.dma_semaphore, #tpu.memory_space<semaphore_mem>>) src(%arg13 : memref<1536x64xf32, #tpu.memory_space<vmem>>) dst(%dma_wait3A_92 : memref<1536x64xf32, #tpu.memory_space<hbm>>)
      tpu.yield
    }) : () -> ()
    %barrier3A = arith.constant 0 : index
    tpu.barrier barrier_id(%barrier3A)
    %mul3A_49 = arith.constant 192 : i32
    %mul3A_50 = arith.muli %select_n3A_30, %mul3A_49 : i32
    %mul3A_51 = arith.constant 16 : i32
    %mul3A_52 = arith.muli %arg0, %mul3A_51 : i32
    %jit3A_53 = arith.constant 2 : i32
    %eq3A_54 = arith.constant 0 : i32
    %eq3A_55 = arith.cmpi eq, %jit3A_53, %eq3A_54 : i32
    %jit3A_56 = arith.constant 1 : i32
    %select_n3A_57 = arith.select %eq3A_55, %jit3A_56, %jit3A_53 : i32
    %rem3A_58 = arith.remsi %add3A, %select_n3A_57 : i32
    %ne3A_59 = arith.constant 0 : i32
    %ne3A_60 = arith.cmpi ne, %rem3A_58, %ne3A_59 : i32
    %lt3A_61 = arith.constant 0 : i32
    %lt3A_62 = arith.cmpi slt, %rem3A_58, %lt3A_61 : i32
    %lt3A_63 = arith.constant 0 : i32
    %lt3A_64 = arith.cmpi slt, %select_n3A_57, %lt3A_63 : i32
    %ne3A_65 = arith.xori %lt3A_62, %lt3A_64 : i1
    %and3A_66 = arith.andi %ne3A_65, %ne3A_60 : i1
    %add3A_67 = arith.addi %rem3A_58, %select_n3A_57 : i32
    %select_n3A_68 = arith.select %and3A_66, %add3A_67, %rem3A_58 : i32
    %mul3A_69 = arith.constant 8 : i32
    %mul3A_70 = arith.muli %select_n3A_68, %mul3A_69 : i32
    %add3A_71 = arith.addi %mul3A_52, %mul3A_70 : i32
    "tpu.region"() ({
      %run_scoped3A = tpu.sem_alloc : memref<!tpu.dma_semaphore, #tpu.memory_space<semaphore_mem>>
      %dma_start3A = arith.constant 0 : i32
      %dma_start3A_79 = arith.constant 0 : i32
      %dma_start3A_80 = tpu.memref_slice %arg13[%dma_start3A, %dma_start3A_79] : memref<1536x64xf32, #tpu.memory_space<vmem>> -> memref<192x64xf32, #tpu.memory_space<vmem>>
      %dma_start3A_81 = arith.constant 0 : i32
      %dma_start3A_82 = tpu.memref_slice %arg7[%add3A_71, %mul3A_50, %dma_start3A_81] : memref<32x1536x64xf32, #tpu.memory_space<hbm>> -> memref<1x192x64xf32, #tpu.memory_space<hbm>>
      %dma_start3A_83 = tpu.memref_squeeze %dma_start3A_82 : memref<1x192x64xf32, #tpu.memory_space<hbm>> -> memref<192x64xf32, #tpu.memory_space<hbm>>
      %dma_start3A_84 = arith.constant 0 : i32
      %dma_start3A_85 = arith.constant 0 : i32
      %dma_start3A_86 = tpu.memref_slice %arg13[%dma_start3A_84, %dma_start3A_85] : memref<1536x64xf32, #tpu.memory_space<vmem>> -> memref<192x64xf32, #tpu.memory_space<vmem>>
      %dma_start3A_87 = arith.constant 0 : i32
      %dma_start3A_88 = tpu.memref_slice %arg7[%add3A_71, %mul3A_50, %dma_start3A_87] : memref<32x1536x64xf32, #tpu.memory_space<hbm>> -> memref<1x192x64xf32, #tpu.memory_space<hbm>>
      %dma_start3A_89 = tpu.memref_squeeze %dma_start3A_88 : memref<1x192x64xf32, #tpu.memory_space<hbm>> -> memref<192x64xf32, #tpu.memory_space<hbm>>
      tpu.enqueue_dma source(%dma_start3A_89 : memref<192x64xf32, #tpu.memory_space<hbm>>) target(%dma_start3A_86 : memref<192x64xf32, #tpu.memory_space<vmem>>) target_semaphore(%run_scoped3A : memref<!tpu.dma_semaphore, #tpu.memory_space<semaphore_mem>>)
      %dma_wait3A = arith.constant 0 : i32
      %dma_wait3A_90 = arith.constant 0 : i32
      %dma_wait3A_91 = tpu.memref_slice %arg13[%dma_wait3A, %dma_wait3A_90] : memref<1536x64xf32, #tpu.memory_space<vmem>> -> memref<192x64xf32, #tpu.memory_space<vmem>>
      %dma_wait3A_92 = arith.constant 0 : i32
      %dma_wait3A_93 = tpu.memref_slice %arg7[%add3A_71, %mul3A_50, %dma_wait3A_92] : memref<32x1536x64xf32, #tpu.memory_space<hbm>> -> memref<1x192x64xf32, #tpu.memory_space<hbm>>
      %dma_wait3A_94 = tpu.memref_squeeze %dma_wait3A_93 : memref<1x192x64xf32, #tpu.memory_space<hbm>> -> memref<192x64xf32, #tpu.memory_space<hbm>>
      %dma_wait3A_95 = arith.constant 0 : i32
      %dma_wait3A_96 = arith.constant 0 : i32
      %dma_wait3A_97 = tpu.memref_slice %arg13[%dma_wait3A_95, %dma_wait3A_96] : memref<1536x64xf32, #tpu.memory_space<vmem>> -> memref<192x64xf32, #tpu.memory_space<vmem>>
      %dma_wait3A_98 = arith.constant 0 : i32
      %dma_wait3A_99 = tpu.memref_slice %arg7[%add3A_71, %mul3A_50, %dma_wait3A_98] : memref<32x1536x64xf32, #tpu.memory_space<hbm>> -> memref<1x192x64xf32, #tpu.memory_space<hbm>>
      %dma_wait3A_100 = tpu.memref_squeeze %dma_wait3A_99 : memref<1x192x64xf32, #tpu.memory_space<hbm>> -> memref<192x64xf32, #tpu.memory_space<hbm>>
      tpu.wait_dma2 semaphore(%run_scoped3A : memref<!tpu.dma_semaphore, #tpu.memory_space<semaphore_mem>>) src(%dma_wait3A_100 : memref<192x64xf32, #tpu.memory_space<hbm>>) dst(%dma_wait3A_97 : memref<192x64xf32, #tpu.memory_space<vmem>>)
      tpu.yield
    }) : () -> ()
    %scan3A_72 = arith.constant 0 : i32
    %scan3A_73 = arith.constant 1 : i32
    %scan3A_74 = arith.constant 7 : i32
    %scan3A_75 = arith.addi %scan3A_73, %scan3A_74 : i32
    %scan3A_76 = arith.constant 1 : i32
    %scan3A_77 = scf.for %scan3A_79 = %scan3A_73 to %scan3A_75 step %scan3A_76 iter_args(%scan3A_80 = %scan3A_72) -> (i32)  : i32 {
      %add3A_81 = arith.addi %add3A_71, %scan3A_79 : i32
      "tpu.region"() ({
        %run_scoped3A = tpu.sem_alloc : memref<!tpu.dma_semaphore, #tpu.memory_space<semaphore_mem>>
        %dma_start3A = arith.constant 192 : i32
        %dma_start3A_90 = arith.constant 0 : i32
        %dma_start3A_91 = tpu.memref_slice %arg13[%dma_start3A, %dma_start3A_90] : memref<1536x64xf32, #tpu.memory_space<vmem>> -> memref<192x64xf32, #tpu.memory_space<vmem>>
        %dma_start3A_92 = arith.constant 0 : i32
        %dma_start3A_93 = tpu.memref_slice %arg7[%add3A_81, %mul3A_50, %dma_start3A_92] : memref<32x1536x64xf32, #tpu.memory_space<hbm>> -> memref<1x192x64xf32, #tpu.memory_space<hbm>>
        %dma_start3A_94 = tpu.memref_squeeze %dma_start3A_93 : memref<1x192x64xf32, #tpu.memory_space<hbm>> -> memref<192x64xf32, #tpu.memory_space<hbm>>
        %dma_start3A_95 = arith.constant 192 : i32
        %dma_start3A_96 = arith.constant 0 : i32
        %dma_start3A_97 = tpu.memref_slice %arg13[%dma_start3A_95, %dma_start3A_96] : memref<1536x64xf32, #tpu.memory_space<vmem>> -> memref<192x64xf32, #tpu.memory_space<vmem>>
        %dma_start3A_98 = arith.constant 0 : i32
        %dma_start3A_99 = tpu.memref_slice %arg7[%add3A_81, %mul3A_50, %dma_start3A_98] : memref<32x1536x64xf32, #tpu.memory_space<hbm>> -> memref<1x192x64xf32, #tpu.memory_space<hbm>>
        %dma_start3A_100 = tpu.memref_squeeze %dma_start3A_99 : memref<1x192x64xf32, #tpu.memory_space<hbm>> -> memref<192x64xf32, #tpu.memory_space<hbm>>
        tpu.enqueue_dma source(%dma_start3A_100 : memref<192x64xf32, #tpu.memory_space<hbm>>) target(%dma_start3A_97 : memref<192x64xf32, #tpu.memory_space<vmem>>) target_semaphore(%run_scoped3A : memref<!tpu.dma_semaphore, #tpu.memory_space<semaphore_mem>>)
        %dma_wait3A = arith.constant 192 : i32
        %dma_wait3A_101 = arith.constant 0 : i32
        %dma_wait3A_102 = tpu.memref_slice %arg13[%dma_wait3A, %dma_wait3A_101] : memref<1536x64xf32, #tpu.memory_space<vmem>> -> memref<192x64xf32, #tpu.memory_space<vmem>>
        %dma_wait3A_103 = arith.constant 0 : i32
        %dma_wait3A_104 = tpu.memref_slice %arg7[%add3A_81, %mul3A_50, %dma_wait3A_103] : memref<32x1536x64xf32, #tpu.memory_space<hbm>> -> memref<1x192x64xf32, #tpu.memory_space<hbm>>
        %dma_wait3A_105 = tpu.memref_squeeze %dma_wait3A_104 : memref<1x192x64xf32, #tpu.memory_space<hbm>> -> memref<192x64xf32, #tpu.memory_space<hbm>>
        %dma_wait3A_106 = arith.constant 192 : i32
        %dma_wait3A_107 = arith.constant 0 : i32
        %dma_wait3A_108 = tpu.memref_slice %arg13[%dma_wait3A_106, %dma_wait3A_107] : memref<1536x64xf32, #tpu.memory_space<vmem>> -> memref<192x64xf32, #tpu.memory_space<vmem>>
        %dma_wait3A_109 = arith.constant 0 : i32
        %dma_wait3A_110 = tpu.memref_slice %arg7[%add3A_81, %mul3A_50, %dma_wait3A_109] : memref<32x1536x64xf32, #tpu.memory_space<hbm>> -> memref<1x192x64xf32, #tpu.memory_space<hbm>>
        %dma_wait3A_111 = tpu.memref_squeeze %dma_wait3A_110 : memref<1x192x64xf32, #tpu.memory_space<hbm>> -> memref<192x64xf32, #tpu.memory_space<hbm>>
        tpu.wait_dma2 semaphore(%run_scoped3A : memref<!tpu.dma_semaphore, #tpu.memory_space<semaphore_mem>>) src(%dma_wait3A_111 : memref<192x64xf32, #tpu.memory_space<hbm>>) dst(%dma_wait3A_108 : memref<192x64xf32, #tpu.memory_space<vmem>>)
        tpu.yield
      }) : () -> ()
      %scan3A_82 = arith.constant 0 : i32
      %scan3A_83 = arith.constant 0 : i32
      %scan3A_84 = arith.constant 768 : i32
      %scan3A_85 = arith.addi %scan3A_83, %scan3A_84 : i32
      %scan3A_86 = arith.constant 1 : i32
      %scan3A_87 = scf.for %scan3A_90 = %scan3A_83 to %scan3A_85 step %scan3A_86 iter_args(%scan3A_91 = %scan3A_82) -> (i32)  : i32 {
        %jit3A_92 = arith.constant 4 : i32
        %div3A_93 = arith.divsi %scan3A_90, %jit3A_92 : i32
        %sign3A_94 = arith.constant 0 : i32
        %sign3A_95 = arith.cmpi sgt, %scan3A_90, %sign3A_94 : i32
        %sign3A_96 = arith.extui %sign3A_95 : i1 to i32
        %sign3A_97 = arith.constant 0 : i32
        %sign3A_98 = arith.cmpi slt, %scan3A_90, %sign3A_97 : i32
        %sign3A_99 = arith.extui %sign3A_98 : i1 to i32
        %sign3A_100 = arith.subi %sign3A_96, %sign3A_99 : i32
        %sign3A_101 = arith.constant 0 : i32
        %sign3A_102 = arith.cmpi sgt, %jit3A_92, %sign3A_101 : i32
        %sign3A_103 = arith.extui %sign3A_102 : i1 to i32
        %sign3A_104 = arith.constant 0 : i32
        %sign3A_105 = arith.cmpi slt, %jit3A_92, %sign3A_104 : i32
        %sign3A_106 = arith.extui %sign3A_105 : i1 to i32
        %sign3A_107 = arith.subi %sign3A_103, %sign3A_106 : i32
        %ne3A_108 = arith.cmpi ne, %sign3A_100, %sign3A_107 : i32
        %rem3A_109 = arith.remsi %scan3A_90, %jit3A_92 : i32
        %ne3A_110 = arith.constant 0 : i32
        %ne3A_111 = arith.cmpi ne, %rem3A_109, %ne3A_110 : i32
        %and3A_112 = arith.andi %ne3A_108, %ne3A_111 : i1
        %sub3A_113 = arith.constant 1 : i32
        %sub3A_114 = arith.subi %div3A_93, %sub3A_113 : i32
        %select_n3A_115 = arith.select %and3A_112, %sub3A_114, %div3A_93 : i32
        %jit3A_116 = arith.constant 4 : i32
        %eq3A_117 = arith.constant 0 : i32
        %eq3A_118 = arith.cmpi eq, %jit3A_116, %eq3A_117 : i32
        %jit3A_119 = arith.constant 1 : i32
        %select_n3A_120 = arith.select %eq3A_118, %jit3A_119, %jit3A_116 : i32
        %rem3A_121 = arith.remsi %scan3A_90, %select_n3A_120 : i32
        %ne3A_122 = arith.constant 0 : i32
        %ne3A_123 = arith.cmpi ne, %rem3A_121, %ne3A_122 : i32
        %lt3A_124 = arith.constant 0 : i32
        %lt3A_125 = arith.cmpi slt, %rem3A_121, %lt3A_124 : i32
        %lt3A_126 = arith.constant 0 : i32
        %lt3A_127 = arith.cmpi slt, %select_n3A_120, %lt3A_126 : i32
        %ne3A_128 = arith.xori %lt3A_125, %lt3A_127 : i1
        %and3A_129 = arith.andi %ne3A_128, %ne3A_123 : i1
        %add3A_130 = arith.addi %rem3A_121, %select_n3A_120 : i32
        %select_n3A_131 = arith.select %and3A_129, %add3A_130, %rem3A_121 : i32
        %mul3A_132 = arith.constant 16 : i32
        %mul3A_133 = arith.muli %select_n3A_131, %mul3A_132 : i32
        %get3A = arith.index_cast %select_n3A_115 : i32 to index
        %get3A_134 = arith.index_cast %mul3A_133 : i32 to index
        %get3A_135 = tpu.vector_load %arg13[%get3A, %get3A_134] {strides = array<i32>} : memref<1536x64xf32, #tpu.memory_space<vmem>>, vector<1x16xf32>,
        %get3A_136 = vector.shape_cast %get3A_135 : vector<1x16xf32> to vector<16xf32>
        %add3A_137 = arith.constant 192 : i32
        %add3A_138 = arith.addi %add3A_137, %select_n3A_115 : i32
        %get3A_139 = arith.index_cast %add3A_138 : i32 to index
        %get3A_140 = arith.index_cast %mul3A_133 : i32 to index
        %get3A_141 = tpu.vector_load %arg13[%get3A_139, %get3A_140] {strides = array<i32>} : memref<1536x64xf32, #tpu.memory_space<vmem>>, vector<1x16xf32>,
        %get3A_142 = vector.shape_cast %get3A_141 : vector<1x16xf32> to vector<16xf32>
        %add3A_143 = arith.addf %get3A_136, %get3A_142 : vector<16xf32>
        %swap3A = arith.index_cast %select_n3A_115 : i32 to index
        %swap3A_144 = arith.index_cast %mul3A_133 : i32 to index
        %swap3A_145 = tpu.vector_load %arg13[%swap3A, %swap3A_144] {strides = array<i32>} : memref<1536x64xf32, #tpu.memory_space<vmem>>, vector<1x16xf32>,
        %swap3A_146 = vector.shape_cast %swap3A_145 : vector<1x16xf32> to vector<16xf32>
        %swap3A_147 = vector.shape_cast %add3A_143 : vector<16xf32> to vector<1x16xf32>
        tpu.vector_store %arg13[%swap3A, %swap3A_144], %swap3A_147 {strides = array<i32>} : memref<1536x64xf32, #tpu.memory_space<vmem>>, vector<1x16xf32>,
        %scan3A_148 = arith.constant 0 : i32
        scf.yield %scan3A_148 : i32
      }
      %scan3A_88 = arith.constant 768 : i32
      %scan3A_89 = arith.constant 0 : i32
      scf.yield %scan3A_89 : i32
    }
    %scan3A_78 = arith.constant 7 : i32
    "tpu.region"() ({
      %run_scoped3A = tpu.sem_alloc : memref<!tpu.dma_semaphore, #tpu.memory_space<semaphore_mem>>
      %dma_start3A = arith.constant 0 : i32
      %dma_start3A_79 = arith.constant 0 : i32
      %dma_start3A_80 = tpu.memref_slice %arg13[%dma_start3A, %dma_start3A_79] : memref<1536x64xf32, #tpu.memory_space<vmem>> -> memref<192x64xf32, #tpu.memory_space<vmem>>
      %dma_start3A_81 = arith.constant 0 : i32
      %dma_start3A_82 = tpu.memref_slice %arg6[%add3A, %mul3A_50, %dma_start3A_81] : memref<4x1536x64xf32, #tpu.memory_space<hbm>> -> memref<1x192x64xf32, #tpu.memory_space<hbm>>
      %dma_start3A_83 = tpu.memref_squeeze %dma_start3A_82 : memref<1x192x64xf32, #tpu.memory_space<hbm>> -> memref<192x64xf32, #tpu.memory_space<hbm>>
      %dma_start3A_84 = arith.constant 0 : i32
      %dma_start3A_85 = tpu.memref_slice %arg6[%add3A, %mul3A_50, %dma_start3A_84] : memref<4x1536x64xf32, #tpu.memory_space<hbm>> -> memref<1x192x64xf32, #tpu.memory_space<hbm>>
      %dma_start3A_86 = tpu.memref_squeeze %dma_start3A_85 : memref<1x192x64xf32, #tpu.memory_space<hbm>> -> memref<192x64xf32, #tpu.memory_space<hbm>>
      %dma_start3A_87 = arith.constant 0 : i32
      %dma_start3A_88 = arith.constant 0 : i32
      %dma_start3A_89 = tpu.memref_slice %arg13[%dma_start3A_87, %dma_start3A_88] : memref<1536x64xf32, #tpu.memory_space<vmem>> -> memref<192x64xf32, #tpu.memory_space<vmem>>
      tpu.enqueue_dma source(%dma_start3A_89 : memref<192x64xf32, #tpu.memory_space<vmem>>) target(%dma_start3A_86 : memref<192x64xf32, #tpu.memory_space<hbm>>) target_semaphore(%run_scoped3A : memref<!tpu.dma_semaphore, #tpu.memory_space<semaphore_mem>>)
      %dma_wait3A = arith.constant 0 : i32
      %dma_wait3A_90 = arith.constant 0 : i32
      %dma_wait3A_91 = tpu.memref_slice %arg13[%dma_wait3A, %dma_wait3A_90] : memref<1536x64xf32, #tpu.memory_space<vmem>> -> memref<192x64xf32, #tpu.memory_space<vmem>>
      %dma_wait3A_92 = arith.constant 0 : i32
      %dma_wait3A_93 = tpu.memref_slice %arg6[%add3A, %mul3A_50, %dma_wait3A_92] : memref<4x1536x64xf32, #tpu.memory_space<hbm>> -> memref<1x192x64xf32, #tpu.memory_space<hbm>>
      %dma_wait3A_94 = tpu.memref_squeeze %dma_wait3A_93 : memref<1x192x64xf32, #tpu.memory_space<hbm>> -> memref<192x64xf32, #tpu.memory_space<hbm>>
      %dma_wait3A_95 = arith.constant 0 : i32
      %dma_wait3A_96 = tpu.memref_slice %arg6[%add3A, %mul3A_50, %dma_wait3A_95] : memref<4x1536x64xf32, #tpu.memory_space<hbm>> -> memref<1x192x64xf32, #tpu.memory_space<hbm>>
      %dma_wait3A_97 = tpu.memref_squeeze %dma_wait3A_96 : memref<1x192x64xf32, #tpu.memory_space<hbm>> -> memref<192x64xf32, #tpu.memory_space<hbm>>
      %dma_wait3A_98 = arith.constant 0 : i32
      %dma_wait3A_99 = arith.constant 0 : i32
      %dma_wait3A_100 = tpu.memref_slice %arg13[%dma_wait3A_98, %dma_wait3A_99] : memref<1536x64xf32, #tpu.memory_space<vmem>> -> memref<192x64xf32, #tpu.memory_space<vmem>>
      tpu.wait_dma2 semaphore(%run_scoped3A : memref<!tpu.dma_semaphore, #tpu.memory_space<semaphore_mem>>) src(%dma_wait3A_100 : memref<192x64xf32, #tpu.memory_space<vmem>>) dst(%dma_wait3A_97 : memref<192x64xf32, #tpu.memory_space<hbm>>)
      tpu.yield
    }) : () -> ()
    return
  }
}

</mosaic_0001>

<sc_bundles>
// kernel: kernel.3.cloned.1.call-start
scs
__scs_entry_jumppad:
0x0: {  	(pc) =	sbr.rel $0x88, $3  }
0x1: {  	(tag) =	ssettag $0x0;
	lr =	simm.s32 $0x1  }
0x2: {  	[smem:$0x3F9D] =	sst lr;
	_ =	strace $0xD0000000  }
0x3: {  	_ = 	snop  }
0x4: {  	_ = 	snop  }
0x5: {  	_ = 	snop  }
0x6: {  	_ = 	snop  }
0x7: {  	_ = 	snop  }
__scs_overlays_trampoline_lowered:
0x8: {  	[smem:$0x3FAC] =	sst s0  }
0x9: {  	[smem:$0x3FAD] =	sst s1  }
0xa: {  	[smem:$0x3FAE] =	sst s2  }
0xb: {  	[smem:$0x3FAF] =	sst s3  }
0xc: {  	[smem:$0x3FB0] =	sst s4  }
0xd: {  	[smem:$0x3FB1] =	sst s5  }
0xe: {  	[smem:$0x3FB2] =	sst s6  }
0xf: {  	[smem:$0x3FB3] =	sst s7  }
0x10: {  	[smem:$0x3FB4] =	sst s8  }
0x11: {  	[smem:$0x3FB5] =	sst s9;
	s0 =	simm.s32 @!p0 $0x0  }
0x12: {  	s1 =	sld [smem:$0x3F9B];
	s0 =	simm.s32 @p0 $0x1  }
0x13: {  	[smem:$0x3FB6] =	sst s0;
	s0 =	simm.s32 @!p1 $0x0  }
0x14: {  	s2 =	sld [smem:$0x3F9A];
	s0 =	simm.s32 @p1 $0x1  }
0x15: {  	[smem:$0x3FB7] =	sst s0;
	s0 =	simm.s32 @!p2 $0x0  }
0x16: {  	s3 =	sld [smem:$0x3FDB];
	s0 =	simm.s32 @p2 $0x1  }
0x17: {  	s4 =	simm.s32 $0x1BF5;
	[smem:$0x3FB9] =	sst s0  }
0x18: {  	s0 =	sld [smem:$0x3F9C];
	_ =	swait.ge [sflag:s4], $0x0  }
0x19: {  	s7 =	sld [smem:$0x3F9D]  }
0x1a: {  	s8 =	sadd.s32 $0xFFFFE003, lr  }
0x1b: {  	s9 =	sadd.s32 $0xFFFFFEF7, lr;
	s5 =	simm.s32 $0xFFFFFFFF;
	p2 =	slt.u32 s8, $0xFFFFF086  }
0x1c: {  	p1 =	slt.u32 s9, $0xF7A;
	s5 =	simm.s32 @!p2 $0x0  }
0x1d: {  	s5 =	simm.s32 @p1 $0x1;
	p0 =	seq.s32 s7, s2  }
0x1e: {  	s7 =	smul.u32 @!p0 $0xF7A, s2;
	p2 =	seq.s32 @!p0 s5, $0x0  }
0x1f: {  	s9 =	smul.u32 $0xF7A, s1;
	s8 =	simm.s32 @!p0 $0x1BF5;
	p2 =	por !p2, p0  }
0x20: {  	[sflag:s8] =	ssyncset.s32 @!p0 $0xFFFFF086;
	s6 =	sadd.s32 @!p0 s3, s7;
	s7 =	simm.s32 @!p0 $0x108  }
0x21: {  	s3 =	sadd.s32 s3, s9;
	s6 =	sadd.s32 @!p0 $0x88, s6;
	s7 =	simm.s32 @p2 $0x1082  }
0x22: {  	[simem:s7], [sflag:s8] =	dma.local @!p0 [hbm:s6], $0xF7A  }
0x23: {  	s9 =	sor.u32 $0xD0000000, s2;
	s6 =	simm.s32 $0x108;
	_ =	swait.ge @!p0 [sflag:s8], $0x0  }
0x24: {  	s3 =	sadd.s32 $0x88, s3;
	s6 =	simm.s32 @!p1 $0x1082;
	[sflag:s4] =	ssyncset.s32 $0xFFFFF086  }
0x25: {  	[simem:s6], [sflag:s4] =	dma.local [hbm:s3], $0xF7A  }
0x26: {  	[smem:$0x3F9D] =	sst s1;
	(tag) =	ssettag s2;
	_ =	strace s9  }
0x27: {  	s1 =	sld [smem:$0x3FAD]  }
0x28: {  	s2 =	sld [smem:$0x3FAE]  }
0x29: {  	s4 =	sld [smem:$0x3FB0]  }
0x2a: {  	p0 =	seq.s32 s5, $0x0;
	s5 =	sld [smem:$0x3FB1]  }
0x2b: {  	s6 =	sld [smem:$0x3FB2]  }
0x2c: {  	s7 =	sld [smem:$0x3FB3]  }
0x2d: {  	s3 =	simm.s32 $0x108;
	s8 =	sld [smem:$0x3FB4]  }
0x2e: {  	s3 =	simm.s32 @!p0 $0x1082;
	s9 =	sld [smem:$0x3FB5]  }
0x2f: {  	lr =	sadd.s32 s0, s3;
	s0 =	sld [smem:$0x3FAC]  }
0x30: {  	s3 =	sld [smem:$0x3FAF]  }
0x31: {  	[smem:$0x3FB8] =	sst s10  }
0x32: {  	s10 =	sld [smem:$0x3FB6];
	_ =	sdelay $0x3  }
0x33: {  	p0 =	seq.s32 s10, $0x1;
	s10 =	sld [smem:$0x3FB8];
	_ =	sdelay $0x3  }
0x34: {  	[smem:$0x3FB8] =	sst s10  }
0x35: {  	s10 =	sld [smem:$0x3FB7];
	_ =	sdelay $0x3  }
0x36: {  	p1 =	seq.s32 s10, $0x1;
	s10 =	sld [smem:$0x3FB8];
	_ =	sdelay $0x3  }
0x37: {  	[smem:$0x3FB8] =	sst s10  }
0x38: {  	s10 =	sld [smem:$0x3FB9]  }
0x39: {  	_ = 	snop;
	(pc) =	sbr.ind lr, $3  }
0x3a: {  	_ = 	snop  }
0x3b: {  	_ = 	snop  }
0x3c: {  	p2 =	seq.s32 s10, $0x1;
	s10 =	sld [smem:$0x3FB8]  }
0x3d: {  	_ =	shalt  }
0x3e: {  	_ =	shalt  }
0x3f: {  	_ =	shalt  }
0x40: {  	_ =	shalt  }
0x41: {  	_ =	shalt  }
0x42: {  	_ =	shalt  }
0x43: {  	_ =	shalt  }
0x44: {  	_ =	shalt  }
0x45: {  	_ =	shalt  }
0x46: {  	_ =	shalt  }
0x47: {  	_ =	shalt  }
0x48: {  	_ =	shalt  }
0x49: {  	_ =	shalt  }
0x4a: {  	_ =	shalt  }
0x4b: {  	_ =	shalt  }
0x4c: {  	_ =	shalt  }
0x4d: {  	_ =	shalt  }
0x4e: {  	_ =	shalt  }
0x4f: {  	_ =	shalt  }
0x50: {  	_ =	shalt  }
0x51: {  	_ =	shalt  }
0x52: {  	_ =	shalt  }
0x53: {  	_ =	shalt  }
0x54: {  	_ =	shalt  }
0x55: {  	_ =	shalt  }
0x56: {  	_ =	shalt  }
0x57: {  	_ =	shalt  }
0x58: {  	_ =	shalt  }
0x59: {  	_ =	shalt  }
0x5a: {  	_ =	shalt  }
0x5b: {  	_ =	shalt  }
0x5c: {  	_ =	shalt  }
0x5d: {  	_ =	shalt  }
0x5e: {  	_ =	shalt  }
0x5f: {  	_ =	shalt  }
0x60: {  	_ =	shalt  }
0x61: {  	_ =	shalt  }
0x62: {  	_ =	shalt  }
0x63: {  	_ =	shalt  }
0x64: {  	_ =	shalt  }
0x65: {  	_ =	shalt  }
0x66: {  	_ =	shalt  }
0x67: {  	_ =	shalt  }
0x68: {  	_ =	shalt  }
0x69: {  	_ =	shalt  }
0x6a: {  	_ =	shalt  }
0x6b: {  	_ =	shalt  }
0x6c: {  	_ =	shalt  }
0x6d: {  	_ =	shalt  }
0x6e: {  	_ =	shalt  }
0x6f: {  	_ =	shalt  }
0x70: {  	_ =	shalt  }
0x71: {  	_ =	shalt  }
0x72: {  	_ =	shalt  }
0x73: {  	_ =	shalt  }
0x74: {  	_ =	shalt  }
0x75: {  	_ =	shalt  }
0x76: {  	_ =	shalt  }
0x77: {  	_ =	shalt  }
0x78: {  	_ =	shalt  }
0x79: {  	_ =	shalt  }
0x7a: {  	_ =	shalt  }
0x7b: {  	_ =	shalt  }
0x7c: {  	_ =	shalt  }
0x7d: {  	_ =	shalt  }
0x7e: {  	_ =	shalt  }
0x7f: {  	_ =	shalt  }
0x80: {  	_ =	shalt  }
0x81: {  	_ =	shalt  }
0x82: {  	_ =	shalt  }
0x83: {  	_ =	shalt  }
0x84: {  	_ =	shalt  }
0x85: {  	_ =	shalt  }
0x86: {  	_ =	shalt  }
0x87: {  	_ =	shalt  }
.Lfunc_end0:
.L_simem_size_0:
called_computation_lowered:
.L_overlay_start_0:
0x88: {  	s2 =	sld [smem:$0x3FD9]  }
0x89: {  	s3 =	sld [smem:$0x3FFE];
	_ =	sdelay $0x1  }
0x8a: {  	s1 =	srdreg.scid  }
0x8b: {  	s0 =	sand.u32 $0x1, s1  }
0x8c: {  	s17 =	sshll.u32 s0, $0xA;
	s2 =	sadd.s32 s3, s2  }
0x8d: {  	s2 =	sadd.s32 s2, s17  }
0x8e: {  	[smem:$0x3FC4] =	sst s2  }
0x8f: {  	_ = 	snop  }
0x90: {  	s2 =	sld [smem:$0x3FD0];
	(tm) =	ssettm $0x1  }
0x91: {  	s18 =	sld [smem:$0x3FFB];
	_ =	sdelay $0x3  }
0x92: {  	_ =	strace s18  }
0x93: {  	s3 =	sld [smem:$0x3FFC];
	_ =	sdelay $0x3  }
0x94: {  	_ =	strace s3  }
0x95: {  	s3 =	sld [smem:$0x3FFD];
	_ =	sdelay $0x3  }
0x96: {  	_ =	strace s3  }
0x97: {  	_ =	strace $0x8FFFFFFF  }
0x98: {  	s19 =	sld [smem:$0x3FDB];
	_ =	sdelay $0x1  }
0x99: {  	s4 =	simm.s32 $_scs_section_size  }
0x9a: {  	s5 =	simm.s32 $_size__tile_overlayer_lowered;
	s6 =	simm.s32 $_tile_overlayer_lowered  }
0x9b: {  	s22 =	simm.s32 $0x1BFF;
	s21 =	sshll.u32 s6, $0x1;
	s3 =	sadd.s32 s4, s19  }
0x9c: {  	s7 =	simm.s32 $0x0;
	s20 =	sshll.u32 s5, $0x1;
	s5 =	sadd.s32 s21, s3  }
0x9d: {  	[timem:s7], [sflag:s22] =	dma.local [hbm:s5], s20  }
0x9e: {  	_ =	swait.ge [sflag:s22], s20  }
0x9f: {  	s4 =	ssub.s32 $0x0, s20;
	[sflag:s22] =	ssyncset.done $0x0  }
0xa0: {  	[sflag:s22] =	ssyncadd.s32 s4;
	_ =	sdelay $0x1  }
0xa1: {  	s23 =	simm.s32 $0x1B8B  }
0xa2: {  	_ =	swait.ge [sflag:s23], $0x1  }
0xa3: {  	[sflag:s23] =	ssyncset.done $0x0  }
0xa4: {  	s25 =	simm.s32 $0x1B8E;
	s24 =	sld [smem:$0x3FFE];
	[sflag:s23] =	ssyncadd.s32 $0xFFFFFFFF  }
0xa5: {  	s26 =	simm.s32 $execute0_lowered;
	[smem:$0x3FD2] =	sst s25  }
0xa6: {  	s5 =	sshll.u32 s26, $0x1;
	_ =	strace $0x80000046;
	[dreg:$0x1] =	wrdreg $0xFFFFFFFF  }
0xa7: {  	s28 =	simm.s32 $_size_execute0_lowered;
	s3 =	sadd.s32 s3, s5;
	[dreg:$0x0] =	wrdreg $0x0  }
0xa8: {  	s5 =	sshll.u32 s28, $0x1;
	[dreg:$0x2] =	wrdreg s3  }
0xa9: {  	[dreg:$0x3] =	wrdreg s5  }
0xaa: {  	[dreg:$0x4] =	wrdreg $0xC0  }
0xab: {  	_ =	task [dreg:s7], $0x5FFFF  }
0xac: {  	[dreg:$0x1] =	wrdreg $0xFFFFFFFF  }
0xad: {  	[dreg:$0x0] =	wrdreg $0x60  }
0xae: {  	[dreg:$0x2] =	wrdreg s24  }
0xaf: {  	[dreg:$0x3] =	wrdreg s2  }
0xb0: {  	[dreg:$0x4] =	wrdreg $0x9  }
0xb1: {  	_ =	task.clear_ibuf [dreg:s7], $0x5FFFF;
	_ =	strace $0x90000046  }
0xb2: {  	s29 =	simm.s32 $0x9;
	_ =	strace $0x80000048  }
0xb3: {  	_ =	swait.ge [sflag:s29], $0x1  }
0xb4: {  	[sflag:s29] =	ssyncadd.s32 $0xFFFFFFFF  }
0xb5: {  	_ =	strace $0x90000048  }
0xb6: {  	_ =	sfence  }
0xb7: {  	s30 =	sld [smem:$0x0];
	_ =	sdelay $0x2  }
0xb8: {  	s31 =	sshll.u32 s1, $0xD;
	s1 =	sshrl.u32 s1, $0x2  }
0xb9: {  	s3 =	sand.u32 $0x4000, s31;
	s1 =	sadd.s32 s1, s30  }
0xba: {  	s0 =	sor.u32 s3, s0;
	s1 =	sshll.u32 s1, $0x11  }
0xbb: {  	s0 =	sor.u32 s1, s0  }
0xbc: {  	s0 =	sadd.s32 $0x8F2B, s0  }
0xbd: {  	[sflag:s0] =	ssyncadd.remote.s32 $0x1  }
0xbe: {  	_ =	sfence.sel $0xFFFF  }
0xbf: {  	[dreg:$0x0] =	wrdreg $0xFFFFFFFF;
	(pc) =	sbr.abs _section_cstart, $3  }
0xc0: {  	[dreg:$0x1] =	wrdreg $0xFFFFFFFF  }
0xc1: {  	_ =	task.clear_ibuf [dreg:s7], $0x2FFFF;
	_ =	strace $0x9FFFFFFF  }
0xc2: {  	(tm) =	ssettm $0x7FFFFFFF  }
0xc3: {  	_ =	shalt  }
tec
execute0_lowered:
.L_overlay_start_1:
0x0: {  	(tag) =	ssettag $0x1  }
0x1: {  	s9 =	rddreg [dreg:$0x0]  }
0x2: {  	s2 =	rddreg [dreg:$0x1]  }
0x3: {  	s3 =	srdreg.scid;
	s0 =	rddreg [dreg:$0x2]  }
0x4: {  	s1 =	stileid.u32;
	s17 =	simm.s32 $0x1000;
	s18 =	simm.s32 $0x1  }
0x5: {  	s20 =	simm.s32 $0x6000;
	s21 =	simm.s32 $0x0;
	s10 =	sand.u32 $0x1, s3  }
0x6: {  	s5 =	sshrl.u32 s1, $0x3;
	s11 =	sand.u32 $0x7, s1;
	s4 =	sshll.u32 s10, $0x1  }
0x7: {  	s3 =	simm.s32 $0x0;
	s12 =	sor.u32 s5, s4;
	s4 =	smul.u32 $0x3000, s11  }
0x8: {  	s13 =	sshll.u32 s10, $0x4;
	s10 =	ssub.s32 $0x2, s10;
	s6 =	smul.u32 $0x18000, s12  }
0x9: {  	s8 =	sand.u32 $0x8, s1;
	[smem:$0x7FF] =	sst s3;
	s16 =	sshrl.u32 s10, $0x1  }
0xa: {  	s16 =	ssub.s32 s10, s16;
	s19 =	smul.u32 $0x4E20, s12;
	s7 =	sadd.s32 s4, s6  }
0xb: {  	s10 =	smul.u32 $0x6400, s11;
	s14 =	sshrl.u32 s7, $0x3;
	s7 =	sor.u32 s8, s13  }
0xc: {  	_ =	strace $0x80000047;
	s13 =	sor.u32 s1, s13;
	s15 =	smul.u32 $0x18000, s7  }
0xd: {  	s5 =	sadd.s32 $0x139600, s9;
	s6 =	sadd.s32 $0xE00, s9;
	s13 =	smul.u32 $0x3000, s13  }
0xe: {  	s8 =	sadd.s32 $0x7200, s9;
	s14 =	sadd.s32 s14, s9;
	s9 =	sadd.s32 $0xD600, s9  }
0xf: {  	v0 =	vmov s19;
	s19 =	simm.s32 $0x3000;
	s15 =	sor.u32 s4, s15;
	s11 =	sadd.s32 s9, s13  }
0x10: {  	s13 =	sadd.s32 $0x6D600, s14;
	s14 =	smax.u32 s16, $0x1;
	s31 =	sshrl.u32 s15, $0x3  }
0x11: {  	v1 =	vimm.f32 $0.0e+00;
	s16 =	simm.s32 $0x80;
	s15 =	simm.s32 $0x2;
	s12 =	sadd.s32 s9, s31  }
.LBB2_1:
0x12: {  	s22 =	sand.u32 $0x7FF00, s3  }
0x13: {  	s24 =	sand.u32 $0x30, s3;
	s22 =	sshrl.u32 s22, $0x2  }
0x14: {  	s23 =	simm.s32 $0x40;
	s25 =	sor.u32 s24, s22;
	s24 =	simm.s32 $0x0  }
.LBB2_2:
0x15: {  	p0 =	sne.s32 s23, $0x5FFC0  }
0x16: {  	[tilespmem:s25+$0x3000] =	vst v1;
	s24 =	sadd.s32 $0x10, s24;
	s22 =	smov.u32 s23;
	s23 =	sadd.s32 $0x40, s23  }
.Ltmp0:
0x17: {  	(pc) =	sbr.rel @p0 .LBB2_2-.Ltmp0, $4  }
0x18: {  	_ = 	snop  }
0x19: {  	s22 =	sand.u32 $0x7FF00, s22  }
0x1a: {  	s25 =	sand.u32 $0x30, s24;
	s22 =	sshrl.u32 s22, $0x2  }
0x1b: {  	s25 =	sor.u32 s25, s22;
	s22 =	simm.s32 $0x0  }
0x1c: {  	[tilespmem:s25+$0x3000] =	vst v1;
	s23 =	simm.s32 $0x0  }
.LBB2_4:
0x1d: {  	s24 =	sshll.u32 s23, $0xA  }
0x1e: {  	s24 =	sadd.s32 s10, s24  }
0x1f: {  	s25 =	sshrl.u32 s24, $0x3  }
0x20: {  	s24 =	sadd.s32 s2, s25  }
0x21: {  	[tilespmem:s22], [sflag:$0x2] =	stream.linear.gather [hbm4b:s24+s22], $0x400, $0x38;
	[tilespmem:$0x1B000] =	vst v63  }
0x22: {  	_ =	swait.ge [sflag:s15], $0x400  }
0x23: {  	[sflag:s15] =	ssyncset.done $0x0  }
0x24: {  	s26 =	sadd.s32 s6, s25;
	s24 =	simm.s32 $0x400;
	[sflag:s15] =	ssyncadd.s32 $0xFFFFFC00  }
0x25: {  	[tilespmem:s24], [sflag:$0x2] =	stream.linear.gather [hbm4b:s26+s22], $0x400, $0x38;
	[tilespmem:$0x1B000] =	vst v63  }
0x26: {  	_ =	swait.ge [sflag:s15], $0x400  }
0x27: {  	[sflag:s15] =	ssyncset.done $0x0  }
0x28: {  	s31 =	sadd.s32 s8, s25;
	s25 =	simm.s32 $0x800;
	[sflag:s15] =	ssyncadd.s32 $0xFFFFFC00  }
0x29: {  	[tilespmem:s25], [sflag:$0x2] =	stream.linear.gather [hbm4b:s31+s22], $0x400, $0x38;
	[tilespmem:$0x1B000] =	vst v63  }
0x2a: {  	_ =	swait.ge [sflag:s15], $0x400  }
0x2b: {  	[sflag:s15] =	ssyncset.done $0x0  }
0x2c: {  	[sflag:s15] =	ssyncadd.s32 $0xFFFFFC00  }
0x2d: {  	v2 =	vld [tilespmem:$0x0]  }
0x2e: {  	v3 =	vld [tilespmem:$0x10]  }
0x2f: {  	v4 =	vld [tilespmem:$0x20]  }
0x30: {  	v5 =	vld [tilespmem:$0x30]  }
0x31: {  	v6 =	vld [tilespmem:$0x40]  }
0x32: {  	v7 =	vld [tilespmem:$0x50];
	v2 =	vadd.s32 v0, v2  }
0x33: {  	[tilespmem:$0xC00] =	vst v2;
	v2 =	vadd.s32 v0, v3;
	v3 =	vld [tilespmem:$0x60]  }
0x34: {  	v18 =	vld [tilespmem:$0x70];
	[tilespmem:$0xC10] =	vst v2;
	v2 =	vadd.s32 v0, v4  }
0x35: {  	v19 =	vld [tilespmem:$0x80];
	[tilespmem:$0xC20] =	vst v2;
	v2 =	vadd.s32 v0, v5  }
0x36: {  	v20 =	vld [tilespmem:$0x90];
	[tilespmem:$0xC30] =	vst v2;
	v2 =	vadd.s32 v0, v6  }
0x37: {  	v21 =	vld [tilespmem:$0xA0];
	[tilespmem:$0xC40] =	vst v2;
	v2 =	vadd.s32 v0, v7  }
0x38: {  	[tilespmem:$0xC50] =	vst v2;
	v2 =	vadd.s32 v0, v3;
	v3 =	vld [tilespmem:$0xB0]  }
0x39: {  	v22 =	vld [tilespmem:$0xC0];
	[tilespmem:$0xC60] =	vst v2;
	v2 =	vadd.s32 v0, v18  }
0x3a: {  	v23 =	vld [tilespmem:$0xD0];
	[tilespmem:$0xC70] =	vst v2;
	v2 =	vadd.s32 v0, v19  }
0x3b: {  	v24 =	vld [tilespmem:$0xE0];
	[tilespmem:$0xC80] =	vst v2;
	v2 =	vadd.s32 v0, v20  }
0x3c: {  	v25 =	vld [tilespmem:$0xF0];
	[tilespmem:$0xC90] =	vst v2;
	v2 =	vadd.s32 v0, v21  }
0x3d: {  	[tilespmem:$0xCA0] =	vst v2;
	v2 =	vadd.s32 v0, v3;
	v3 =	vld [tilespmem:$0x100]  }
0x3e: {  	v26 =	vld [tilespmem:$0x110];
	[tilespmem:$0xCB0] =	vst v2;
	v2 =	vadd.s32 v0, v22  }
0x3f: {  	v27 =	vld [tilespmem:$0x120];
	[tilespmem:$0xCC0] =	vst v2;
	v2 =	vadd.s32 v0, v23  }
0x40: {  	v28 =	vld [tilespmem:$0x130];
	[tilespmem:$0xCD0] =	vst v2;
	v2 =	vadd.s32 v0, v24  }
0x41: {  	v29 =	vld [tilespmem:$0x140];
	[tilespmem:$0xCE0] =	vst v2;
	v2 =	vadd.s32 v0, v25  }
0x42: {  	[tilespmem:$0xCF0] =	vst v2;
	v2 =	vadd.s32 v0, v3;
	v3 =	vld [tilespmem:$0x150]  }
0x43: {  	v30 =	vld [tilespmem:$0x160];
	[tilespmem:$0xD00] =	vst v2;
	v2 =	vadd.s32 v0, v26  }
0x44: {  	v31 =	vld [tilespmem:$0x170];
	[tilespmem:$0xD10] =	vst v2;
	v2 =	vadd.s32 v0, v27  }
0x45: {  	v32 =	vld [tilespmem:$0x180];
	[tilespmem:$0xD20] =	vst v2;
	v2 =	vadd.s32 v0, v28  }
0x46: {  	v33 =	vld [tilespmem:$0x190];
	[tilespmem:$0xD30] =	vst v2;
	v2 =	vadd.s32 v0, v29  }
0x47: {  	[tilespmem:$0xD40] =	vst v2;
	v2 =	vadd.s32 v0, v3;
	v3 =	vld [tilespmem:$0x1A0]  }
0x48: {  	v34 =	vld [tilespmem:$0x1B0];
	[tilespmem:$0xD50] =	vst v2;
	v2 =	vadd.s32 v0, v30  }
0x49: {  	v35 =	vld [tilespmem:$0x1C0];
	[tilespmem:$0xD60] =	vst v2;
	v2 =	vadd.s32 v0, v31  }
0x4a: {  	v36 =	vld [tilespmem:$0x1D0];
	[tilespmem:$0xD70] =	vst v2;
	v2 =	vadd.s32 v0, v32  }
0x4b: {  	v37 =	vld [tilespmem:$0x1E0];
	[tilespmem:$0xD80] =	vst v2;
	v2 =	vadd.s32 v0, v33  }
0x4c: {  	[tilespmem:$0xD90] =	vst v2;
	v2 =	vadd.s32 v0, v3;
	v3 =	vld [tilespmem:$0x1F0]  }
0x4d: {  	v38 =	vld [tilespmem:$0x200];
	[tilespmem:$0xDA0] =	vst v2;
	v2 =	vadd.s32 v0, v34  }
0x4e: {  	v39 =	vld [tilespmem:$0x210];
	[tilespmem:$0xDB0] =	vst v2;
	v2 =	vadd.s32 v0, v35  }
0x4f: {  	v40 =	vld [tilespmem:$0x220];
	[tilespmem:$0xDC0] =	vst v2;
	v2 =	vadd.s32 v0, v36  }
0x50: {  	v41 =	vld [tilespmem:$0x230];
	[tilespmem:$0xDD0] =	vst v2;
	v2 =	vadd.s32 v0, v37  }
0x51: {  	[tilespmem:$0xDE0] =	vst v2;
	v2 =	vadd.s32 v0, v3;
	v3 =	vld [tilespmem:$0x240]  }
0x52: {  	v42 =	vld [tilespmem:$0x250];
	[tilespmem:$0xDF0] =	vst v2;
	v2 =	vadd.s32 v0, v38  }
0x53: {  	v43 =	vld [tilespmem:$0x260];
	[tilespmem:$0xE00] =	vst v2;
	v2 =	vadd.s32 v0, v39  }
0x54: {  	v44 =	vld [tilespmem:$0x270];
	[tilespmem:$0xE10] =	vst v2;
	v2 =	vadd.s32 v0, v40  }
0x55: {  	v45 =	vld [tilespmem:$0x280];
	[tilespmem:$0xE20] =	vst v2;
	v2 =	vadd.s32 v0, v41  }
0x56: {  	[tilespmem:$0xE30] =	vst v2;
	v2 =	vadd.s32 v0, v3;
	v3 =	vld [tilespmem:$0x290]  }
0x57: {  	v46 =	vld [tilespmem:$0x2A0];
	[tilespmem:$0xE40] =	vst v2;
	v2 =	vadd.s32 v0, v42  }
0x58: {  	v47 =	vld [tilespmem:$0x2B0];
	[tilespmem:$0xE50] =	vst v2;
	v2 =	vadd.s32 v0, v43  }
0x59: {  	v48 =	vld [tilespmem:$0x2C0];
	[tilespmem:$0xE60] =	vst v2;
	v2 =	vadd.s32 v0, v44  }
0x5a: {  	v49 =	vld [tilespmem:$0x2D0];
	[tilespmem:$0xE70] =	vst v2;
	v2 =	vadd.s32 v0, v45  }
0x5b: {  	[tilespmem:$0xE80] =	vst v2;
	v2 =	vadd.s32 v0, v3;
	v3 =	vld [tilespmem:$0x2E0]  }
0x5c: {  	v50 =	vld [tilespmem:$0x2F0];
	[tilespmem:$0xE90] =	vst v2;
	v2 =	vadd.s32 v0, v46  }
0x5d: {  	v51 =	vld [tilespmem:$0x300];
	[tilespmem:$0xEA0] =	vst v2;
	v2 =	vadd.s32 v0, v47  }
0x5e: {  	v52 =	vld [tilespmem:$0x310];
	[tilespmem:$0xEB0] =	vst v2;
	v2 =	vadd.s32 v0, v48  }
0x5f: {  	v53 =	vld [tilespmem:$0x320];
	[tilespmem:$0xEC0] =	vst v2;
	v2 =	vadd.s32 v0, v49  }
0x60: {  	[tilespmem:$0xED0] =	vst v2;
	v2 =	vadd.s32 v0, v3;
	v3 =	vld [tilespmem:$0x330]  }
0x61: {  	v54 =	vld [tilespmem:$0x340];
	[tilespmem:$0xEE0] =	vst v2;
	v2 =	vadd.s32 v0, v50  }
0x62: {  	v55 =	vld [tilespmem:$0x350];
	[tilespmem:$0xEF0] =	vst v2;
	v2 =	vadd.s32 v0, v51  }
0x63: {  	v56 =	vld [tilespmem:$0x360];
	[tilespmem:$0xF00] =	vst v2;
	v2 =	vadd.s32 v0, v52  }
0x64: {  	v57 =	vld [tilespmem:$0x370];
	[tilespmem:$0xF10] =	vst v2;
	v2 =	vadd.s32 v0, v53  }
0x65: {  	[tilespmem:$0xF20] =	vst v2;
	v2 =	vadd.s32 v0, v3;
	v3 =	vld [tilespmem:$0x380]  }
0x66: {  	v58 =	vld [tilespmem:$0x390];
	[tilespmem:$0xF30] =	vst v2;
	v2 =	vadd.s32 v0, v54  }
0x67: {  	v59 =	vld [tilespmem:$0x3A0];
	[tilespmem:$0xF40] =	vst v2;
	v2 =	vadd.s32 v0, v55  }
0x68: {  	v60 =	vld [tilespmem:$0x3B0];
	[tilespmem:$0xF50] =	vst v2;
	v2 =	vadd.s32 v0, v56  }
0x69: {  	v61 =	vld [tilespmem:$0x3C0];
	[tilespmem:$0xF60] =	vst v2;
	v2 =	vadd.s32 v0, v57  }
0x6a: {  	[tilespmem:$0xF70] =	vst v2;
	v2 =	vadd.s32 v0, v3;
	v3 =	vld [tilespmem:$0x3D0]  }
0x6b: {  	v62 =	vld [tilespmem:$0x3E0];
	[tilespmem:$0xF80] =	vst v2;
	v2 =	vadd.s32 v0, v58  }
0x6c: {  	v63 =	vld [tilespmem:$0x3F0];
	[tilespmem:$0xF90] =	vst v2;
	v2 =	vadd.s32 v0, v59  }
0x6d: {  	[tilespmem:$0xFA0] =	vst v2;
	v2 =	vadd.s32 v0, v60  }
0x6e: {  	[tilespmem:$0xFB0] =	vst v2;
	v2 =	vadd.s32 v0, v61  }
0x6f: {  	[tilespmem:$0xFC0] =	vst v2;
	v2 =	vadd.s32 v0, v3  }
0x70: {  	[tilespmem:$0xFD0] =	vst v2;
	v2 =	vadd.s32 v0, v62  }
0x71: {  	[tilespmem:$0xFE0] =	vst v2;
	v2 =	vadd.s32 v0, v63  }
0x72: {  	s26 =	simm.s32 $0x0;
	[tilespmem:$0xFF0] =	vst v2  }
.LBB2_5:
0x73: {  	s28 =	sshll.u32 s26, $0x7  }
0x74: {  	s28 =	sadd.s32 $0xC00, s28  }
0x75: {  	v2 =	vmov s24;
	[tilespmem:s17], [sflag:$0x1] =	stream.indirect.gather [hbm4b:s5+s16], $0x40, s28, s16, $0xb8;
	[tilespmem:$0x1B000] =	vst v63  }
0x76: {  	_ =	swait.ge [sflag:s18], $0x2000  }
0x77: {  	[sflag:s18] =	ssyncset.done $0x0  }
0x78: {  	s29 =	simm.s32 $0x1200;
	v3 =	vmov s25;
	s28 =	simm.s32 $0x0;
	[sflag:s18] =	ssyncadd.s32 $0xFFFFE000  }
.LBB2_6:
0x79: {  	s30 =	sshra.s32 s28, $0x2  }
0x7a: {  	v4 =	vld.idx.msk [tilespmem:v2+s30+$0x0 ss:$0x1], $0xffff;
	_ =	sdelay $0x4  }
0x7b: {  	v4 =	vshll.u32 v4, $0x8  }
0x7c: {  	v5 =	vshra.s32 v4, $0x2  }
0x7d: {  	(v2sf) =	vpush v5, $0x0;
	_ =	sdelay $0xb  }
0x7e: {  	v4 =	vld.idx.msk [tilespmem:v3+s30+$0x0 ss:$0x1], $0xffff;
	_ =	sdelay $0x1  }
0x7f: {  	v6 =	vld [tilespmem:s29+$0xFFFFFE00]  }
0x80: {  	s31 =	spop (v2sf)  }
0x81: {  	v7 =	vld [tilespmem:s31+$0x3000]  }
0x82: {  	v8 =	vbroadcast v4, $0x0;
	_ =	sdelay $0x1  }
0x83: {  	v6 =	vmul.f32 v6, v8;
	_ =	sdelay $0x1  }
0x84: {  	v6 =	vadd.f32 v6, v7;
	_ =	sdelay $0x1  }
0x85: {  	[tilespmem:s31+$0x3000] =	vst v6  }
0x86: {  	v6 =	vld [tilespmem:s29+$0xFFFFFE10];
	_ =	sdelay $0x1  }
0x87: {  	v39 =	vld [tilespmem:s31+$0x3010];
	_ =	sdelay $0x2  }
0x88: {  	v6 =	vmul.f32 v6, v8;
	_ =	sdelay $0x1  }
0x89: {  	v6 =	vadd.f32 v6, v39;
	_ =	sdelay $0x1  }
0x8a: {  	[tilespmem:s31+$0x3010] =	vst v6  }
0x8b: {  	v6 =	vld [tilespmem:s29+$0xFFFFFE20];
	_ =	sdelay $0x1  }
0x8c: {  	v40 =	vld [tilespmem:s31+$0x3020];
	_ =	sdelay $0x2  }
0x8d: {  	v6 =	vmul.f32 v6, v8  }
0x8e: {  	(v2sf) =	vpush v5, $0x1  }
0x8f: {  	v6 =	vadd.f32 v6, v40;
	_ =	sdelay $0x1  }
0x90: {  	[tilespmem:s31+$0x3020] =	vst v6  }
0x91: {  	v6 =	vld [tilespmem:s29+$0xFFFFFE30];
	_ =	sdelay $0x1  }
0x92: {  	v41 =	vld [tilespmem:s31+$0x3030];
	_ =	sdelay $0x2  }
0x93: {  	v6 =	vmul.f32 v6, v8;
	_ =	sdelay $0x1  }
0x94: {  	v6 =	vadd.f32 v6, v41;
	_ =	sdelay $0x1  }
0x95: {  	[tilespmem:s31+$0x3030] =	vst v6  }
0x96: {  	v6 =	vld [tilespmem:s29+$0xFFFFFE40]  }
0x97: {  	s31 =	spop (v2sf)  }
0x98: {  	v42 =	vld [tilespmem:s31+$0x3000]  }
0x99: {  	v43 =	vbroadcast v4, $0x1;
	_ =	sdelay $0x1  }
0x9a: {  	v6 =	vmul.f32 v6, v43;
	_ =	sdelay $0x1  }
0x9b: {  	v6 =	vadd.f32 v6, v42;
	_ =	sdelay $0x1  }
0x9c: {  	[tilespmem:s31+$0x3000] =	vst v6  }
0x9d: {  	v6 =	vld [tilespmem:s29+$0xFFFFFE50];
	_ =	sdelay $0x1  }
0x9e: {  	v44 =	vld [tilespmem:s31+$0x3010];
	_ =	sdelay $0x2  }
0x9f: {  	v6 =	vmul.f32 v6, v43;
	_ =	sdelay $0x1  }
0xa0: {  	v6 =	vadd.f32 v6, v44;
	_ =	sdelay $0x1  }
0xa1: {  	[tilespmem:s31+$0x3010] =	vst v6  }
0xa2: {  	v6 =	vld [tilespmem:s29+$0xFFFFFE60];
	_ =	sdelay $0x1  }
0xa3: {  	v45 =	vld [tilespmem:s31+$0x3020];
	_ =	sdelay $0x2  }
0xa4: {  	v6 =	vmul.f32 v6, v43  }
0xa5: {  	(v2sf) =	vpush v5, $0x2  }
0xa6: {  	v6 =	vadd.f32 v6, v45;
	_ =	sdelay $0x1  }
0xa7: {  	[tilespmem:s31+$0x3020] =	vst v6  }
0xa8: {  	v6 =	vld [tilespmem:s29+$0xFFFFFE70];
	_ =	sdelay $0x1  }
0xa9: {  	v46 =	vld [tilespmem:s31+$0x3030];
	_ =	sdelay $0x2  }
0xaa: {  	v6 =	vmul.f32 v6, v43;
	_ =	sdelay $0x1  }
0xab: {  	v6 =	vadd.f32 v6, v46;
	_ =	sdelay $0x1  }
0xac: {  	[tilespmem:s31+$0x3030] =	vst v6  }
0xad: {  	v6 =	vld [tilespmem:s29+$0xFFFFFE80]  }
0xae: {  	s31 =	spop (v2sf)  }
0xaf: {  	v47 =	vld [tilespmem:s31+$0x3000]  }
0xb0: {  	v48 =	vbroadcast v4, $0x2;
	_ =	sdelay $0x1  }
0xb1: {  	v6 =	vmul.f32 v6, v48;
	_ =	sdelay $0x1  }
0xb2: {  	v6 =	vadd.f32 v6, v47;
	_ =	sdelay $0x1  }
0xb3: {  	[tilespmem:s31+$0x3000] =	vst v6  }
0xb4: {  	v6 =	vld [tilespmem:s29+$0xFFFFFE90];
	_ =	sdelay $0x1  }
0xb5: {  	v49 =	vld [tilespmem:s31+$0x3010];
	_ =	sdelay $0x2  }
0xb6: {  	v6 =	vmul.f32 v6, v48;
	_ =	sdelay $0x1  }
0xb7: {  	v6 =	vadd.f32 v6, v49;
	_ =	sdelay $0x1  }
0xb8: {  	[tilespmem:s31+$0x3010] =	vst v6  }
0xb9: {  	v6 =	vld [tilespmem:s29+$0xFFFFFEA0];
	_ =	sdelay $0x1  }
0xba: {  	v50 =	vld [tilespmem:s31+$0x3020];
	_ =	sdelay $0x2  }
0xbb: {  	v6 =	vmul.f32 v6, v48  }
0xbc: {  	(v2sf) =	vpush v5, $0x3  }
0xbd: {  	v6 =	vadd.f32 v6, v50;
	_ =	sdelay $0x1  }
0xbe: {  	[tilespmem:s31+$0x3020] =	vst v6  }
0xbf: {  	v6 =	vld [tilespmem:s29+$0xFFFFFEB0];
	_ =	sdelay $0x1  }
0xc0: {  	v51 =	vld [tilespmem:s31+$0x3030];
	_ =	sdelay $0x2  }
0xc1: {  	v6 =	vmul.f32 v6, v48;
	_ =	sdelay $0x1  }
0xc2: {  	v6 =	vadd.f32 v6, v51;
	_ =	sdelay $0x1  }
0xc3: {  	[tilespmem:s31+$0x3030] =	vst v6  }
0xc4: {  	v6 =	vld [tilespmem:s29+$0xFFFFFEC0]  }
0xc5: {  	s31 =	spop (v2sf)  }
0xc6: {  	v52 =	vld [tilespmem:s31+$0x3000]  }
0xc7: {  	v53 =	vbroadcast v4, $0x3;
	_ =	sdelay $0x1  }
0xc8: {  	v6 =	vmul.f32 v6, v53;
	_ =	sdelay $0x1  }
0xc9: {  	v6 =	vadd.f32 v6, v52;
	_ =	sdelay $0x1  }
0xca: {  	[tilespmem:s31+$0x3000] =	vst v6  }
0xcb: {  	v6 =	vld [tilespmem:s29+$0xFFFFFED0];
	_ =	sdelay $0x1  }
0xcc: {  	v54 =	vld [tilespmem:s31+$0x3010];
	_ =	sdelay $0x2  }
0xcd: {  	v6 =	vmul.f32 v6, v53;
	_ =	sdelay $0x1  }
0xce: {  	v6 =	vadd.f32 v6, v54;
	_ =	sdelay $0x1  }
0xcf: {  	[tilespmem:s31+$0x3010] =	vst v6  }
0xd0: {  	v6 =	vld [tilespmem:s29+$0xFFFFFEE0];
	_ =	sdelay $0x1  }
0xd1: {  	v55 =	vld [tilespmem:s31+$0x3020];
	_ =	sdelay $0x2  }
0xd2: {  	v6 =	vmul.f32 v6, v53  }
0xd3: {  	(v2sf) =	vpush v5, $0x4  }
0xd4: {  	v6 =	vadd.f32 v6, v55;
	_ =	sdelay $0x1  }
0xd5: {  	[tilespmem:s31+$0x3020] =	vst v6  }
0xd6: {  	v6 =	vld [tilespmem:s29+$0xFFFFFEF0];
	_ =	sdelay $0x1  }
0xd7: {  	v56 =	vld [tilespmem:s31+$0x3030];
	_ =	sdelay $0x2  }
0xd8: {  	v6 =	vmul.f32 v6, v53;
	_ =	sdelay $0x1  }
0xd9: {  	v6 =	vadd.f32 v6, v56;
	_ =	sdelay $0x1  }
0xda: {  	[tilespmem:s31+$0x3030] =	vst v6  }
0xdb: {  	v6 =	vld [tilespmem:s29+$0xFFFFFF00]  }
0xdc: {  	s31 =	spop (v2sf)  }
0xdd: {  	v57 =	vld [tilespmem:s31+$0x3000]  }
0xde: {  	v58 =	vbroadcast v4, $0x4;
	_ =	sdelay $0x1  }
0xdf: {  	v6 =	vmul.f32 v6, v58;
	_ =	sdelay $0x1  }
0xe0: {  	v6 =	vadd.f32 v6, v57;
	_ =	sdelay $0x1  }
0xe1: {  	[tilespmem:s31+$0x3000] =	vst v6  }
0xe2: {  	v6 =	vld [tilespmem:s29+$0xFFFFFF10];
	_ =	sdelay $0x1  }
0xe3: {  	v59 =	vld [tilespmem:s31+$0x3010];
	_ =	sdelay $0x2  }
0xe4: {  	v6 =	vmul.f32 v6, v58;
	_ =	sdelay $0x1  }
0xe5: {  	v6 =	vadd.f32 v6, v59;
	_ =	sdelay $0x1  }
0xe6: {  	[tilespmem:s31+$0x3010] =	vst v6  }
0xe7: {  	v6 =	vld [tilespmem:s29+$0xFFFFFF20];
	_ =	sdelay $0x1  }
0xe8: {  	v60 =	vld [tilespmem:s31+$0x3020];
	_ =	sdelay $0x2  }
0xe9: {  	v6 =	vmul.f32 v6, v58  }
0xea: {  	(v2sf) =	vpush v5, $0x5  }
0xeb: {  	v6 =	vadd.f32 v6, v60;
	_ =	sdelay $0x1  }
0xec: {  	[tilespmem:s31+$0x3020] =	vst v6  }
0xed: {  	v6 =	vld [tilespmem:s29+$0xFFFFFF30];
	_ =	sdelay $0x1  }
0xee: {  	v61 =	vld [tilespmem:s31+$0x3030];
	_ =	sdelay $0x2  }
0xef: {  	v6 =	vmul.f32 v6, v58;
	_ =	sdelay $0x1  }
0xf0: {  	v6 =	vadd.f32 v6, v61;
	_ =	sdelay $0x1  }
0xf1: {  	[tilespmem:s31+$0x3030] =	vst v6  }
0xf2: {  	v6 =	vld [tilespmem:s29+$0xFFFFFF40]  }
0xf3: {  	s31 =	spop (v2sf)  }
0xf4: {  	v62 =	vld [tilespmem:s31+$0x3000]  }
0xf5: {  	v63 =	vbroadcast v4, $0x5;
	_ =	sdelay $0x1  }
0xf6: {  	v6 =	vmul.f32 v6, v63;
	_ =	sdelay $0x1  }
0xf7: {  	v6 =	vadd.f32 v6, v62;
	_ =	sdelay $0x1  }
0xf8: {  	[tilespmem:s31+$0x3000] =	vst v6  }
0xf9: {  	v6 =	vld [tilespmem:s29+$0xFFFFFF50];
	_ =	sdelay $0x1  }
0xfa: {  	v12 =	vld [tilespmem:s31+$0x3010];
	_ =	sdelay $0x2  }
0xfb: {  	v6 =	vmul.f32 v6, v63;
	_ =	sdelay $0x1  }
0xfc: {  	v6 =	vadd.f32 v6, v12;
	_ =	sdelay $0x1  }
0xfd: {  	[tilespmem:s31+$0x3010] =	vst v6  }
0xfe: {  	v6 =	vld [tilespmem:s29+$0xFFFFFF60];
	_ =	sdelay $0x1  }
0xff: {  	v13 =	vld [tilespmem:s31+$0x3020];
	_ =	sdelay $0x2  }
0x100: {  	v6 =	vmul.f32 v6, v63  }
0x101: {  	(v2sf) =	vpush v5, $0x6  }
0x102: {  	v6 =	vadd.f32 v6, v13;
	_ =	sdelay $0x1  }
0x103: {  	[tilespmem:s31+$0x3020] =	vst v6  }
0x104: {  	v6 =	vld [tilespmem:s29+$0xFFFFFF70];
	_ =	sdelay $0x1  }
0x105: {  	v14 =	vld [tilespmem:s31+$0x3030];
	_ =	sdelay $0x2  }
0x106: {  	v6 =	vmul.f32 v6, v63;
	_ =	sdelay $0x1  }
0x107: {  	v6 =	vadd.f32 v6, v14;
	_ =	sdelay $0x1  }
0x108: {  	[tilespmem:s31+$0x3030] =	vst v6  }
0x109: {  	v6 =	vld [tilespmem:s29+$0xFFFFFF80]  }
0x10a: {  	s31 =	spop (v2sf)  }
0x10b: {  	v15 =	vld [tilespmem:s31+$0x3000]  }
0x10c: {  	v16 =	vbroadcast v4, $0x6;
	_ =	sdelay $0x1  }
0x10d: {  	v6 =	vmul.f32 v6, v16;
	_ =	sdelay $0x1  }
0x10e: {  	v6 =	vadd.f32 v6, v15;
	_ =	sdelay $0x1  }
0x10f: {  	[tilespmem:s31+$0x3000] =	vst v6  }
0x110: {  	v6 =	vld [tilespmem:s29+$0xFFFFFF90];
	_ =	sdelay $0x1  }
0x111: {  	v17 =	vld [tilespmem:s31+$0x3010];
	_ =	sdelay $0x2  }
0x112: {  	v6 =	vmul.f32 v6, v16;
	_ =	sdelay $0x1  }
0x113: {  	v6 =	vadd.f32 v6, v17;
	_ =	sdelay $0x1  }
0x114: {  	[tilespmem:s31+$0x3010] =	vst v6  }
0x115: {  	v6 =	vld [tilespmem:s29+$0xFFFFFFA0];
	_ =	sdelay $0x1  }
0x116: {  	v18 =	vld [tilespmem:s31+$0x3020];
	_ =	sdelay $0x2  }
0x117: {  	v6 =	vmul.f32 v6, v16  }
0x118: {  	(v2sf) =	vpush v5, $0x7  }
0x119: {  	v6 =	vadd.f32 v6, v18;
	_ =	sdelay $0x1  }
0x11a: {  	[tilespmem:s31+$0x3020] =	vst v6  }
0x11b: {  	v6 =	vld [tilespmem:s29+$0xFFFFFFB0];
	_ =	sdelay $0x1  }
0x11c: {  	v19 =	vld [tilespmem:s31+$0x3030];
	_ =	sdelay $0x2  }
0x11d: {  	v6 =	vmul.f32 v6, v16;
	_ =	sdelay $0x1  }
0x11e: {  	v6 =	vadd.f32 v6, v19;
	_ =	sdelay $0x1  }
0x11f: {  	[tilespmem:s31+$0x3030] =	vst v6  }
0x120: {  	v6 =	vld [tilespmem:s29+$0xFFFFFFC0]  }
0x121: {  	s31 =	spop (v2sf)  }
0x122: {  	v20 =	vld [tilespmem:s31+$0x3000]  }
0x123: {  	v21 =	vbroadcast v4, $0x7;
	_ =	sdelay $0x1  }
0x124: {  	v6 =	vmul.f32 v6, v21;
	_ =	sdelay $0x1  }
0x125: {  	v6 =	vadd.f32 v6, v20;
	_ =	sdelay $0x1  }
0x126: {  	[tilespmem:s31+$0x3000] =	vst v6  }
0x127: {  	v6 =	vld [tilespmem:s29+$0xFFFFFFD0];
	_ =	sdelay $0x1  }
0x128: {  	v22 =	vld [tilespmem:s31+$0x3010];
	_ =	sdelay $0x2  }
0x129: {  	v6 =	vmul.f32 v6, v21;
	_ =	sdelay $0x1  }
0x12a: {  	v6 =	vadd.f32 v6, v22;
	_ =	sdelay $0x1  }
0x12b: {  	[tilespmem:s31+$0x3010] =	vst v6  }
0x12c: {  	v6 =	vld [tilespmem:s29+$0xFFFFFFE0];
	_ =	sdelay $0x1  }
0x12d: {  	v23 =	vld [tilespmem:s31+$0x3020];
	_ =	sdelay $0x2  }
0x12e: {  	v6 =	vmul.f32 v6, v21  }
0x12f: {  	(v2sf) =	vpush v5, $0x8  }
0x130: {  	v6 =	vadd.f32 v6, v23;
	_ =	sdelay $0x1  }
0x131: {  	[tilespmem:s31+$0x3020] =	vst v6  }
0x132: {  	v6 =	vld [tilespmem:s29+$0xFFFFFFF0];
	_ =	sdelay $0x1  }
0x133: {  	v24 =	vld [tilespmem:s31+$0x3030];
	_ =	sdelay $0x2  }
0x134: {  	v6 =	vmul.f32 v6, v21;
	_ =	sdelay $0x1  }
0x135: {  	v6 =	vadd.f32 v6, v24;
	_ =	sdelay $0x1  }
0x136: {  	[tilespmem:s31+$0x3030] =	vst v6  }
0x137: {  	v6 =	vld [tilespmem:s29+$0x0]  }
0x138: {  	s31 =	spop (v2sf)  }
0x139: {  	v25 =	vld [tilespmem:s31+$0x3000]  }
0x13a: {  	v26 =	vbroadcast v4, $0x8;
	_ =	sdelay $0x1  }
0x13b: {  	v6 =	vmul.f32 v6, v26;
	_ =	sdelay $0x1  }
0x13c: {  	v6 =	vadd.f32 v6, v25;
	_ =	sdelay $0x1  }
0x13d: {  	[tilespmem:s31+$0x3000] =	vst v6  }
0x13e: {  	v6 =	vld [tilespmem:s29+$0x10];
	_ =	sdelay $0x1  }
0x13f: {  	v27 =	vld [tilespmem:s31+$0x3010];
	_ =	sdelay $0x2  }
0x140: {  	v6 =	vmul.f32 v6, v26;
	_ =	sdelay $0x1  }
0x141: {  	v6 =	vadd.f32 v6, v27;
	_ =	sdelay $0x1  }
0x142: {  	[tilespmem:s31+$0x3010] =	vst v6  }
0x143: {  	v6 =	vld [tilespmem:s29+$0x20];
	_ =	sdelay $0x1  }
0x144: {  	v28 =	vld [tilespmem:s31+$0x3020];
	_ =	sdelay $0x2  }
0x145: {  	v6 =	vmul.f32 v6, v26  }
0x146: {  	(v2sf) =	vpush v5, $0x9  }
0x147: {  	v6 =	vadd.f32 v6, v28;
	_ =	sdelay $0x1  }
0x148: {  	[tilespmem:s31+$0x3020] =	vst v6  }
0x149: {  	v6 =	vld [tilespmem:s29+$0x30];
	_ =	sdelay $0x1  }
0x14a: {  	v29 =	vld [tilespmem:s31+$0x3030];
	_ =	sdelay $0x2  }
0x14b: {  	v6 =	vmul.f32 v6, v26;
	_ =	sdelay $0x1  }
0x14c: {  	v6 =	vadd.f32 v6, v29;
	_ =	sdelay $0x1  }
0x14d: {  	[tilespmem:s31+$0x3030] =	vst v6  }
0x14e: {  	v6 =	vld [tilespmem:s29+$0x40]  }
0x14f: {  	s31 =	spop (v2sf)  }
0x150: {  	v30 =	vld [tilespmem:s31+$0x3000]  }
0x151: {  	v31 =	vbroadcast v4, $0x9;
	_ =	sdelay $0x1  }
0x152: {  	v6 =	vmul.f32 v6, v31;
	_ =	sdelay $0x1  }
0x153: {  	v6 =	vadd.f32 v6, v30;
	_ =	sdelay $0x1  }
0x154: {  	[tilespmem:s31+$0x3000] =	vst v6  }
0x155: {  	v6 =	vld [tilespmem:s29+$0x50];
	_ =	sdelay $0x1  }
0x156: {  	v32 =	vld [tilespmem:s31+$0x3010];
	_ =	sdelay $0x2  }
0x157: {  	v6 =	vmul.f32 v6, v31;
	_ =	sdelay $0x1  }
0x158: {  	v6 =	vadd.f32 v6, v32;
	_ =	sdelay $0x1  }
0x159: {  	[tilespmem:s31+$0x3010] =	vst v6  }
0x15a: {  	v6 =	vld [tilespmem:s29+$0x60];
	_ =	sdelay $0x1  }
0x15b: {  	v33 =	vld [tilespmem:s31+$0x3020];
	_ =	sdelay $0x2  }
0x15c: {  	v6 =	vmul.f32 v6, v31  }
0x15d: {  	(v2sf) =	vpush v5, $0xA  }
0x15e: {  	v6 =	vadd.f32 v6, v33;
	_ =	sdelay $0x1  }
0x15f: {  	[tilespmem:s31+$0x3020] =	vst v6  }
0x160: {  	v6 =	vld [tilespmem:s29+$0x70];
	_ =	sdelay $0x1  }
0x161: {  	v34 =	vld [tilespmem:s31+$0x3030];
	_ =	sdelay $0x2  }
0x162: {  	v6 =	vmul.f32 v6, v31;
	_ =	sdelay $0x1  }
0x163: {  	v6 =	vadd.f32 v6, v34;
	_ =	sdelay $0x1  }
0x164: {  	[tilespmem:s31+$0x3030] =	vst v6  }
0x165: {  	v6 =	vld [tilespmem:s29+$0x80]  }
0x166: {  	s31 =	spop (v2sf)  }
0x167: {  	v35 =	vld [tilespmem:s31+$0x3000]  }
0x168: {  	v36 =	vbroadcast v4, $0xA;
	_ =	sdelay $0x1  }
0x169: {  	v6 =	vmul.f32 v6, v36;
	_ =	sdelay $0x1  }
0x16a: {  	v6 =	vadd.f32 v6, v35;
	_ =	sdelay $0x1  }
0x16b: {  	[tilespmem:s31+$0x3000] =	vst v6  }
0x16c: {  	v6 =	vld [tilespmem:s29+$0x90];
	_ =	sdelay $0x1  }
0x16d: {  	v37 =	vld [tilespmem:s31+$0x3010];
	_ =	sdelay $0x2  }
0x16e: {  	v6 =	vmul.f32 v6, v36;
	_ =	sdelay $0x1  }
0x16f: {  	v6 =	vadd.f32 v6, v37;
	_ =	sdelay $0x1  }
0x170: {  	[tilespmem:s31+$0x3010] =	vst v6  }
0x171: {  	v6 =	vld [tilespmem:s29+$0xA0];
	_ =	sdelay $0x1  }
0x172: {  	v38 =	vld [tilespmem:s31+$0x3020];
	_ =	sdelay $0x2  }
0x173: {  	v6 =	vmul.f32 v6, v36  }
0x174: {  	(v2sf) =	vpush v5, $0xB  }
0x175: {  	v6 =	vadd.f32 v6, v38;
	_ =	sdelay $0x1  }
0x176: {  	[tilespmem:s31+$0x3020] =	vst v6  }
0x177: {  	v6 =	vld [tilespmem:s29+$0xB0];
	_ =	sdelay $0x1  }
0x178: {  	v39 =	vld [tilespmem:s31+$0x3030];
	_ =	sdelay $0x2  }
0x179: {  	v6 =	vmul.f32 v6, v36;
	_ =	sdelay $0x1  }
0x17a: {  	v6 =	vadd.f32 v6, v39;
	_ =	sdelay $0x1  }
0x17b: {  	[tilespmem:s31+$0x3030] =	vst v6  }
0x17c: {  	v6 =	vld [tilespmem:s29+$0xC0]  }
0x17d: {  	s31 =	spop (v2sf)  }
0x17e: {  	v40 =	vld [tilespmem:s31+$0x3000]  }
0x17f: {  	v41 =	vbroadcast v4, $0xB;
	_ =	sdelay $0x1  }
0x180: {  	v6 =	vmul.f32 v6, v41;
	_ =	sdelay $0x1  }
0x181: {  	v6 =	vadd.f32 v6, v40;
	_ =	sdelay $0x1  }
0x182: {  	[tilespmem:s31+$0x3000] =	vst v6  }
0x183: {  	v6 =	vld [tilespmem:s29+$0xD0];
	_ =	sdelay $0x1  }
0x184: {  	v42 =	vld [tilespmem:s31+$0x3010];
	_ =	sdelay $0x2  }
0x185: {  	v6 =	vmul.f32 v6, v41;
	_ =	sdelay $0x1  }
0x186: {  	v6 =	vadd.f32 v6, v42;
	_ =	sdelay $0x1  }
0x187: {  	[tilespmem:s31+$0x3010] =	vst v6  }
0x188: {  	v6 =	vld [tilespmem:s29+$0xE0];
	_ =	sdelay $0x1  }
0x189: {  	v43 =	vld [tilespmem:s31+$0x3020];
	_ =	sdelay $0x2  }
0x18a: {  	v6 =	vmul.f32 v6, v41  }
0x18b: {  	(v2sf) =	vpush v5, $0xC  }
0x18c: {  	v6 =	vadd.f32 v6, v43;
	_ =	sdelay $0x1  }
0x18d: {  	[tilespmem:s31+$0x3020] =	vst v6  }
0x18e: {  	v6 =	vld [tilespmem:s29+$0xF0];
	_ =	sdelay $0x1  }
0x18f: {  	v44 =	vld [tilespmem:s31+$0x3030];
	_ =	sdelay $0x2  }
0x190: {  	v6 =	vmul.f32 v6, v41;
	_ =	sdelay $0x1  }
0x191: {  	v6 =	vadd.f32 v6, v44;
	_ =	sdelay $0x1  }
0x192: {  	[tilespmem:s31+$0x3030] =	vst v6  }
0x193: {  	v6 =	vld [tilespmem:s29+$0x100]  }
0x194: {  	s31 =	spop (v2sf)  }
0x195: {  	v45 =	vld [tilespmem:s31+$0x3000]  }
0x196: {  	v46 =	vbroadcast v4, $0xC;
	_ =	sdelay $0x1  }
0x197: {  	v6 =	vmul.f32 v6, v46;
	_ =	sdelay $0x1  }
0x198: {  	v6 =	vadd.f32 v6, v45;
	_ =	sdelay $0x1  }
0x199: {  	[tilespmem:s31+$0x3000] =	vst v6  }
0x19a: {  	v6 =	vld [tilespmem:s29+$0x110];
	_ =	sdelay $0x1  }
0x19b: {  	v47 =	vld [tilespmem:s31+$0x3010];
	_ =	sdelay $0x2  }
0x19c: {  	v6 =	vmul.f32 v6, v46;
	_ =	sdelay $0x1  }
0x19d: {  	v6 =	vadd.f32 v6, v47;
	_ =	sdelay $0x1  }
0x19e: {  	[tilespmem:s31+$0x3010] =	vst v6  }
0x19f: {  	v6 =	vld [tilespmem:s29+$0x120];
	_ =	sdelay $0x1  }
0x1a0: {  	v48 =	vld [tilespmem:s31+$0x3020];
	_ =	sdelay $0x2  }
0x1a1: {  	v6 =	vmul.f32 v6, v46  }
0x1a2: {  	(v2sf) =	vpush v5, $0xD  }
0x1a3: {  	v6 =	vadd.f32 v6, v48;
	_ =	sdelay $0x1  }
0x1a4: {  	[tilespmem:s31+$0x3020] =	vst v6  }
0x1a5: {  	v6 =	vld [tilespmem:s29+$0x130];
	_ =	sdelay $0x1  }
0x1a6: {  	v49 =	vld [tilespmem:s31+$0x3030];
	_ =	sdelay $0x2  }
0x1a7: {  	v6 =	vmul.f32 v6, v46;
	_ =	sdelay $0x1  }
0x1a8: {  	v6 =	vadd.f32 v6, v49;
	_ =	sdelay $0x1  }
0x1a9: {  	[tilespmem:s31+$0x3030] =	vst v6  }
0x1aa: {  	v6 =	vld [tilespmem:s29+$0x140]  }
0x1ab: {  	s31 =	spop (v2sf)  }
0x1ac: {  	v50 =	vld [tilespmem:s31+$0x3000]  }
0x1ad: {  	v51 =	vbroadcast v4, $0xD;
	_ =	sdelay $0x1  }
0x1ae: {  	v6 =	vmul.f32 v6, v51;
	_ =	sdelay $0x1  }
0x1af: {  	v6 =	vadd.f32 v6, v50;
	_ =	sdelay $0x1  }
0x1b0: {  	[tilespmem:s31+$0x3000] =	vst v6  }
0x1b1: {  	v6 =	vld [tilespmem:s29+$0x150];
	_ =	sdelay $0x1  }
0x1b2: {  	v52 =	vld [tilespmem:s31+$0x3010];
	_ =	sdelay $0x2  }
0x1b3: {  	v6 =	vmul.f32 v6, v51;
	_ =	sdelay $0x1  }
0x1b4: {  	v6 =	vadd.f32 v6, v52;
	_ =	sdelay $0x1  }
0x1b5: {  	[tilespmem:s31+$0x3010] =	vst v6  }
0x1b6: {  	v6 =	vld [tilespmem:s29+$0x160];
	_ =	sdelay $0x1  }
0x1b7: {  	v53 =	vld [tilespmem:s31+$0x3020];
	_ =	sdelay $0x2  }
0x1b8: {  	v6 =	vmul.f32 v6, v51  }
0x1b9: {  	(v2sf) =	vpush v5, $0xE  }
0x1ba: {  	v6 =	vadd.f32 v6, v53;
	_ =	sdelay $0x1  }
0x1bb: {  	[tilespmem:s31+$0x3020] =	vst v6  }
0x1bc: {  	v6 =	vld [tilespmem:s29+$0x170];
	_ =	sdelay $0x1  }
0x1bd: {  	v54 =	vld [tilespmem:s31+$0x3030];
	_ =	sdelay $0x2  }
0x1be: {  	v6 =	vmul.f32 v6, v51;
	_ =	sdelay $0x1  }
0x1bf: {  	v6 =	vadd.f32 v6, v54;
	_ =	sdelay $0x1  }
0x1c0: {  	[tilespmem:s31+$0x3030] =	vst v6  }
0x1c1: {  	v6 =	vld [tilespmem:s29+$0x180]  }
0x1c2: {  	s31 =	spop (v2sf)  }
0x1c3: {  	v55 =	vld [tilespmem:s31+$0x3000]  }
0x1c4: {  	v56 =	vbroadcast v4, $0xE;
	_ =	sdelay $0x1  }
0x1c5: {  	v6 =	vmul.f32 v6, v56;
	_ =	sdelay $0x1  }
0x1c6: {  	v6 =	vadd.f32 v6, v55;
	_ =	sdelay $0x1  }
0x1c7: {  	[tilespmem:s31+$0x3000] =	vst v6  }
0x1c8: {  	v6 =	vld [tilespmem:s29+$0x190];
	_ =	sdelay $0x1  }
0x1c9: {  	v57 =	vld [tilespmem:s31+$0x3010];
	_ =	sdelay $0x2  }
0x1ca: {  	v6 =	vmul.f32 v6, v56;
	_ =	sdelay $0x1  }
0x1cb: {  	v6 =	vadd.f32 v6, v57;
	_ =	sdelay $0x1  }
0x1cc: {  	[tilespmem:s31+$0x3010] =	vst v6  }
0x1cd: {  	v6 =	vld [tilespmem:s29+$0x1A0];
	_ =	sdelay $0x1  }
0x1ce: {  	v58 =	vld [tilespmem:s31+$0x3020];
	_ =	sdelay $0x2  }
0x1cf: {  	v6 =	vmul.f32 v6, v56  }
0x1d0: {  	(v2sf) =	vpush v5, $0xF  }
0x1d1: {  	v5 =	vadd.f32 v6, v58;
	_ =	sdelay $0x1  }
0x1d2: {  	[tilespmem:s31+$0x3020] =	vst v5  }
0x1d3: {  	v5 =	vld [tilespmem:s29+$0x1B0];
	_ =	sdelay $0x1  }
0x1d4: {  	v59 =	vld [tilespmem:s31+$0x3030];
	_ =	sdelay $0x2  }
0x1d5: {  	v5 =	vmul.f32 v5, v56;
	_ =	sdelay $0x1  }
0x1d6: {  	v5 =	vadd.f32 v5, v59;
	_ =	sdelay $0x1  }
0x1d7: {  	[tilespmem:s31+$0x3030] =	vst v5  }
0x1d8: {  	v5 =	vld [tilespmem:s29+$0x1C0]  }
0x1d9: {  	s31 =	spop (v2sf)  }
0x1da: {  	v60 =	vld [tilespmem:s31+$0x3000]  }
0x1db: {  	v4 =	vbroadcast v4, $0xF;
	_ =	sdelay $0x1  }
0x1dc: {  	v5 =	vmul.f32 v5, v4;
	_ =	sdelay $0x1  }
0x1dd: {  	v5 =	vadd.f32 v5, v60;
	_ =	sdelay $0x1  }
0x1de: {  	[tilespmem:s31+$0x3000] =	vst v5  }
0x1df: {  	v5 =	vld [tilespmem:s29+$0x1D0];
	_ =	sdelay $0x1  }
0x1e0: {  	v61 =	vld [tilespmem:s31+$0x3010];
	_ =	sdelay $0x2  }
0x1e1: {  	v5 =	vmul.f32 v5, v4;
	_ =	sdelay $0x1  }
0x1e2: {  	v5 =	vadd.f32 v5, v61;
	_ =	sdelay $0x1  }
0x1e3: {  	[tilespmem:s31+$0x3010] =	vst v5  }
0x1e4: {  	v5 =	vld [tilespmem:s29+$0x1E0];
	_ =	sdelay $0x1  }
0x1e5: {  	v62 =	vld [tilespmem:s31+$0x3020];
	_ =	sdelay $0x2  }
0x1e6: {  	v5 =	vmul.f32 v5, v4;
	_ =	sdelay $0x1  }
0x1e7: {  	v5 =	vadd.f32 v5, v62;
	_ =	sdelay $0x1  }
0x1e8: {  	[tilespmem:s31+$0x3020] =	vst v5  }
0x1e9: {  	v5 =	vld [tilespmem:s29+$0x1F0];
	_ =	sdelay $0x1  }
0x1ea: {  	v63 =	vld [tilespmem:s31+$0x3030];
	_ =	sdelay $0x1  }
0x1eb: {  	p0 =	sne.s32 s28, $0x1C0  }
.Ltmp1:
0x1ec: {  	v4 =	vmul.f32 v5, v4;
	(pc) =	sbr.rel @p0 .LBB2_6-.Ltmp1, $3  }
0x1ed: {  	_ = 	snop  }
0x1ee: {  	v4 =	vadd.f32 v4, v63;
	_ =	sdelay $0x1  }
0x1ef: {  	s28 =	sadd.s32 $0x40, s28;
	s29 =	sadd.s32 $0x400, s29;
	[tilespmem:s31+$0x3030] =	vst v4  }
0x1f0: {  	s26 =	sadd.s32 $0x1, s26  }
0x1f1: {  	p0 =	sne.s32 s26, $0x8  }
.Ltmp2:
0x1f2: {  	_ = 	snop;
	(pc) =	sbr.rel @p0 .LBB2_5-.Ltmp2, $2  }
0x1f3: {  	_ =	sdelay $0x2  }
0x1f4: {  	s24 =	sadd.s32 $0x80, s24;
	s25 =	sadd.s32 $0x80, s25  }
0x1f5: {  	s23 =	sadd.s32 $0x1, s23  }
0x1f6: {  	p0 =	sne.s32 s23, $0x19  }
.Ltmp3:
0x1f7: {  	_ = 	snop;
	(pc) =	sbr.rel @p0 .LBB2_4-.Ltmp3, $1  }
0x1f8: {  	_ =	sdelay $0x3  }
0x1f9: {  	[hbm4b:s11+s3] =	stream.linear.scatter [tilespmem:s19], [sflag:$0x2], $0x18000, $0x38;
	[tilespmem:$0x1B000] =	vst v63  }
0x1fa: {  	_ =	swait.ge [sflag:s15], $0x18000  }
0x1fb: {  	[sflag:s15] =	ssyncset.done $0x0  }
0x1fc: {  	[sflag:s15] =	ssyncadd.s32 $0xFFFE8000  }
0x1fd: {  	[bflag:$0x0] =	sbarrier.arrive $0xFFFF  }
0x1fe: {  	[tilespmem:s19], [sflag:$0x2] =	stream.linear.gather [hbm4b:s12+s3], $0x3000, $0x38;
	[tilespmem:$0x1B000] =	vst v63  }
0x1ff: {  	_ =	swait.ge [sflag:s15], $0x3000  }
0x200: {  	[sflag:s15] =	ssyncset.done $0x0  }
0x201: {  	s22 =	simm.s32 $0x1;
	[sflag:s15] =	ssyncadd.s32 $0xFFFFD000  }
.LBB2_10:
0x202: {  	s23 =	sadd.s32 s7, s22  }
0x203: {  	s23 =	smul.u32 $0x18000, s23;
	_ =	sdelay $0x1  }
0x204: {  	s23 =	sadd.s32 s4, s23  }
0x205: {  	s23 =	sshrl.u32 s23, $0x3  }
0x206: {  	s24 =	simm.s32 $0x0;
	s23 =	sadd.s32 s9, s23  }
0x207: {  	[tilespmem:s20], [sflag:$0x2] =	stream.linear.gather [hbm4b:s23+s24], $0x3000, $0x38;
	[tilespmem:$0x1B000] =	vst v63  }
0x208: {  	s31 =	simm.s32 $0x0;
	_ =	swait.ge [sflag:s15], $0x3000  }
0x209: {  	s24 =	sand.u32 $0x30, s24;
	s23 =	sand.u32 $0x3FC0, s31;
	[sflag:s15] =	ssyncset.done $0x0  }
0x20a: {  	s23 =	sor.u32 s24, s23;
	[sflag:s15] =	ssyncadd.s32 $0xFFFFD000  }
0x20b: {  	v2 =	vld [tilespmem:s23+$0x6000]  }
0x20c: {  	v3 =	vld [tilespmem:s23+$0x3000];
	_ =	sdelay $0x3  }
0x20d: {  	s25 =	simm.s32 $0x10;
	s24 =	simm.s32 $0x10  }
0x20e: {  	s28 =	sand.u32 $0x3FC0, s25;
	s25 =	simm.s32 $0x80;
	s26 =	sand.u32 $0x30, s24;
	v2 =	vadd.f32 v2, v3  }
.LBB2_11:
0x20f: {  	p0 =	sne.s32 s25, $0xBFC0;
	s26 =	sor.u32 s26, s28  }
0x210: {  	v3 =	vld [tilespmem:s26+$0x6000];
	[tilespmem:s23+$0x3000] =	vst v2;
	s23 =	smov.u32 s26  }
0x211: {  	v2 =	vld [tilespmem:s23+$0x3000]  }
.Ltmp4:
0x212: {  	(pc) =	sbr.rel @p0 .LBB2_11-.Ltmp4, $3  }
0x213: {  	_ =	sdelay $0x1  }
0x214: {  	s28 =	sshrl.u32 s25, $0x2;
	s24 =	sadd.s32 $0x10, s24  }
0x215: {  	s25 =	sadd.s32 $0x40, s25;
	s26 =	sand.u32 $0x30, s24;
	s28 =	sand.u32 $0x3FC0, s28;
	v2 =	vadd.f32 v3, v2  }
0x216: {  	s24 =	sor.u32 s26, s28  }
0x217: {  	v3 =	vld [tilespmem:s24+$0x6000];
	[tilespmem:s23+$0x3000] =	vst v2  }
0x218: {  	v2 =	vld [tilespmem:s24+$0x3000]  }
0x219: {  	s22 =	sadd.s32 $0x1, s22  }
0x21a: {  	p0 =	sne.s32 s22, $0x8  }
.Ltmp5:
0x21b: {  	_ = 	snop;
	(pc) =	sbr.rel @p0 .LBB2_10-.Ltmp5, $3  }
0x21c: {  	_ = 	snop  }
0x21d: {  	v2 =	vadd.f32 v3, v2;
	_ =	sdelay $0x1  }
0x21e: {  	[tilespmem:s24+$0x3000] =	vst v2  }
0x21f: {  	s21 =	sadd.s32 $0x1, s21  }
0x220: {  	p0 =	sne.s32 s21, s14  }
.Ltmp6:
0x221: {  	_ = 	snop;
	(pc) =	sbr.rel @p0 .LBB2_1-.Ltmp6, $4  }
0x222: {  	[hbm4b:s13+s3] =	stream.linear.scatter [tilespmem:s19], [sflag:$0x2], $0x3000, $0x38;
	[tilespmem:$0x1B000] =	vst v63  }
0x223: {  	_ =	swait.ge [sflag:s15], $0x3000  }
0x224: {  	[sflag:s15] =	ssyncset.done $0x0  }
0x225: {  	[sflag:s15] =	ssyncadd.s32 $0xFFFFD000  }
0x226: {  	_ =	sfence.sel $0x180000  }
0x227: {  	[bflag:$0x0] =	sbarrier.arrive $0xFFFF  }
0x228: {  	p0 =	sne.s32 s1, $0x0;
	_ =	strace $0x90000047  }
0x229: {  	s0 =	sadd.s32 @!p0 $0x100000, s0;
	[bflag:$0x2] =	sbarrier.arrive $0xFFFF  }
0x22a: {  	[sflag:s0] =	ssyncadd.tile.s32 @!p0 $0x1;
	_ =	shalt  }
.Lfunc_end2:
_tile_overlayer_lowered:
.L_overlay_start_2:
0x22b: {  	(tag) =	ssettag $0x2  }
0x22c: {  	s0 =	rddreg [dreg:$0x0];
	s2 =	stileid.u32  }
0x22d: {  	s1 =	rddreg [dreg:$0x1];
	p0 =	sne.s32 s2, $0x0  }
0x22e: {  	s3 =	rddreg [dreg:$0x2];
	[bflag:$0x3] =	sbarrier.arrive $0xFFFF;
	s2 =	simm.s32 @!p0 $0x1C02  }
0x22f: {  	[timem:s3], [sflag:s2] =	dma.local @!p0 [hbm:s0], s1  }
0x230: {  	s0 =	simm.s32 @!p0 $0x2  }
0x231: {  	_ =	swait.ge @!p0 [sflag:s0], s1  }
0x232: {  	s1 =	ssub.s32 @!p0 $0x0, s1;
	[sflag:s0] =	ssyncset.done @!p0 $0x0  }
0x233: {  	[sflag:s0] =	ssyncadd.s32 @!p0 s1  }
0x234: {  	[bflag:$0x3] =	sbarrier.arrive $0xFFFF  }
0x235: {  	_ =	shalt  }

</sc_bundles>
